<compile_context>
chip_gen: v7x
topology: tpu7x:2x2x1
jax: 0.10.2.dev20260603
libtpu: 0.0.44.dev20260713+nightly
codegen_flags: <defaults>
</compile_context>

<pallas_src>
import functools

import jax
import jax.numpy as jnp
from jax import lax
from jax.experimental import pallas as pl
from jax.experimental.pallas import tpu as pltpu, tpu_sc as plsc

B = 1024
N = 100000
NUM_WORKERS = 32
ROWS_PER_WORKER = B // NUM_WORKERS
CHUNK = 20000
CHUNKS_PER_ROW = N // CHUNK
CHUNKS_PER_WORKER = ROWS_PER_WORKER * CHUNKS_PER_ROW
ITERS_PER_CHUNK = CHUNK // 16
UNROLL = 5
LANES = 16
BIG_I32 = 0x7FFFFFFF


def _body(pred_hbm, tgt_hbm, out_hbm, buf0, buf1, tbuf, obuf, sem0, sem1):
    wid = lax.axis_index("s") * 2 + lax.axis_index("c")
    wbase = wid * (ROWS_PER_WORKER * N)
    bufs = (buf0, buf1)
    sems = (sem0, sem1)

    pltpu.sync_copy(tgt_hbm.at[pl.ds(wid * ROWS_PER_WORKER, ROWS_PER_WORKER)],
                    tbuf)

    lane = lax.iota(jnp.int32, LANES)
    minus_inf = jnp.full((LANES,), -jnp.inf, jnp.float32)
    zeros_i = jnp.zeros((LANES,), jnp.int32)

    def src(c):
        return pred_hbm.at[pl.ds(wbase + c * CHUNK, CHUNK)]

    pltpu.async_copy(src(0), buf0, sem0)

    def chunk_step(b, c, state):
        m, vidx, argvec, cvec = state
        nxt = jnp.minimum(c + 1, CHUNKS_PER_WORKER - 1)
        pltpu.async_copy(src(nxt), bufs[1 - b], sems[1 - b])
        pltpu.make_async_copy(src(c), bufs[b], sems[b]).wait()

        p = c % CHUNKS_PER_ROW
        r = c // CHUNKS_PER_ROW
        row_start = p == 0
        m = jnp.where(row_start, minus_inf, m)
        vidx = jnp.where(row_start, zeros_i, vidx)

        col0 = p * CHUNK
        buf = bufs[b]

        def inner(k, st):
            m, vidx = st
            for u in range(UNROLL):
                kk = k * UNROLL + u
                v = buf[pl.ds(kk * 16, 16)]
                base = jnp.full((LANES,), col0 + kk * 16, jnp.int32)
                nm = jnp.maximum(m, v)
                vidx = jnp.where(nm != m, base, vidx)
                m = nm
            return m, vidx

        m, vidx = lax.fori_loop(0, ITERS_PER_CHUNK // UNROLL, inner,
                                (m, vidx), unroll=False)

        row_end = p == CHUNKS_PER_ROW - 1
        cols = vidx + lane
        rm = jnp.float32(-jnp.inf)
        ai = jnp.int32(BIG_I32)
        for i in range(LANES):
            vi = m[i]
            ci = cols[i]
            better = jnp.logical_or(
                vi > rm, jnp.logical_and(vi == rm, ci < ai))
            rm = jnp.where(better, vi, rm)
            ai = jnp.where(better, ci, ai)
        jslot = r % LANES
        slot_sel = jnp.where(row_end, jslot, jnp.int32(-1))
        upd = lane == jnp.full((LANES,), slot_sel)
        argvec = jnp.where(upd, jnp.full((LANES,), ai), argvec)

        grp_end = jnp.logical_and(row_end, jslot == LANES - 1)
        tg = tbuf[pl.ds((r // LANES) * LANES, LANES)]
        inc = jnp.where(argvec == tg, jnp.int32(1), jnp.int32(0))
        cvec = jnp.where(grp_end, cvec + inc, cvec)
        return m, vidx, argvec, cvec

    def outer(c2, state):
        for b in range(2):
            state = chunk_step(b, c2 * 2 + b, state)
        return state

    init = (minus_inf, zeros_i, zeros_i, zeros_i)
    _, _, _, cvec = lax.fori_loop(0, CHUNKS_PER_WORKER // 2, outer, init,
                                  unroll=False)

    pltpu.make_async_copy(src(CHUNKS_PER_WORKER - 1), buf0, sem0).wait()

    obuf[...] = cvec.astype(jnp.float32) * jnp.float32(100.0 / B)
    pltpu.sync_copy(obuf, out_hbm.at[pl.ds(wid * LANES, LANES)])


@jax.jit
def _bbox_top1(pred_flat, tgt):
    mesh = plsc.VectorSubcoreMesh(core_axis_name="c", subcore_axis_name="s")
    partials = pl.kernel(
        _body,
        out_type=jax.ShapeDtypeStruct((NUM_WORKERS * LANES,), jnp.float32),
        mesh=mesh,
        scratch_types=[
            pltpu.VMEM((CHUNK,), jnp.float32),
            pltpu.VMEM((CHUNK,), jnp.float32),
            pltpu.VMEM((ROWS_PER_WORKER,), jnp.int32),
            pltpu.VMEM((LANES,), jnp.float32),
            pltpu.SemaphoreType.DMA,
            pltpu.SemaphoreType.DMA,
        ],
    )(pred_flat, tgt)
    return jnp.sum(partials).reshape(1)


def kernel(pred, target):
    pred_flat = pred.reshape(-1)
    tgt = target.astype(jnp.int32)
    return _bbox_top1(pred_flat, tgt)

# --- scband reference (transcript-rebuilt; emitter-appended) ---
"""Pipeline reference for scband-bbox-59098749993443 (READ-ONLY COPY).

The authoritative reference and input builder live on the scoring server;
editing this copy changes nothing except your own understanding.
"""

import jax, jax.numpy as jnp
import numpy as np


def setup_inputs(seed: int = 0) -> dict:
    key = jax.random.key(seed)
    k1, k2 = jax.random.split(key)
    pred = jax.random.normal(k1, (1024, 100000), dtype=jnp.float32)
    target = jax.random.randint(k2, (1024,), 0, 100000, dtype=jnp.int64)
    return {"pred": pred, "target": target}


def reference(pred, target):
    # topk = (1,) so maxk = 1
    maxk = 1
    _, pred_idx = jax.lax.top_k(pred, maxk)          # [B, maxk]
    pred_t = pred_idx.T                              # [maxk, B]
    correct = (pred_t == target.reshape(1, -1))      # [maxk, B] bool
    # k = 1
    correct_k = correct[:1].reshape(-1).astype(jnp.float32).sum(keepdims=True)  # [1]
    res = correct_k * (100.0 / target.shape[0])
    return res

if __name__ == "__main__":
    import jax
    _d = setup_inputs()
    print(jax.jit(kernel)(*tuple(_d.values())))

</pallas_src>

<mosaic_0001>
#map = affine_map<(d0, d1) -> (0)>
module attributes {stable_mosaic.version = 14 : i64} {
  func.func @_body(%arg0: i32, %arg1: i32, %arg2: memref<102400000xf32, #tpu.memory_space<hbm>>, %arg3: memref<1024xi32, #tpu.memory_space<hbm>>, %arg4: memref<512xf32, #tpu.memory_space<hbm>>, %arg5: memref<20000xf32, #tpu.memory_space<vmem>>, %arg6: memref<20000xf32, #tpu.memory_space<vmem>>, %arg7: memref<32xi32, #tpu.memory_space<vmem>>, %arg8: memref<16xf32, #tpu.memory_space<vmem>>, %arg9: memref<!tpu.dma_semaphore, #tpu.memory_space<semaphore_mem>>, %arg10: memref<!tpu.dma_semaphore, #tpu.memory_space<semaphore_mem>>) attributes {dimension_semantics = [#tpu.dimension_semantics<core_parallel>, #tpu.dimension_semantics<subcore_parallel>], iteration_bounds = array<i64: 2, 16>, scalar_prefetch = 0 : i64, scratch_operands = 6 : i64, tpu.core_type = #tpu.core_type<sc_vector_subcore>, window_params = [{transform_indices = #map}, {transform_indices = #map}, {transform_indices = #map}]} {
    %mul3A = arith.constant 2 : i32
    %mul3A_0 = arith.muli %arg1, %mul3A : i32
    %add3A = arith.addi %mul3A_0, %arg0 : i32
    %mul3A_1 = arith.constant 3200000 : i32
    %mul3A_2 = arith.muli %add3A, %mul3A_1 : i32
    %mul3A_3 = arith.constant 32 : i32
    %mul3A_4 = arith.muli %add3A, %mul3A_3 : i32
    "tpu.region"() ({
      %run_scoped3A = tpu.sem_alloc : memref<!tpu.dma_semaphore, #tpu.memory_space<semaphore_mem>>
      %dma_start3A_27 = tpu.memref_slice %arg3[%mul3A_4] : memref<1024xi32, #tpu.memory_space<hbm>> -> memref<32xi32, #tpu.memory_space<hbm>>
      %dma_start3A_28 = tpu.memref_slice %arg3[%mul3A_4] : memref<1024xi32, #tpu.memory_space<hbm>> -> memref<32xi32, #tpu.memory_space<hbm>>
      tpu.enqueue_dma source(%dma_start3A_28 : memref<32xi32, #tpu.memory_space<hbm>>) target(%arg7 : memref<32xi32, #tpu.memory_space<vmem>>) target_semaphore(%run_scoped3A : memref<!tpu.dma_semaphore, #tpu.memory_space<semaphore_mem>>)
      %dma_wait3A_29 = tpu.memref_slice %arg3[%mul3A_4] : memref<1024xi32, #tpu.memory_space<hbm>> -> memref<32xi32, #tpu.memory_space<hbm>>
      %dma_wait3A_30 = tpu.memref_slice %arg3[%mul3A_4] : memref<1024xi32, #tpu.memory_space<hbm>> -> memref<32xi32, #tpu.memory_space<hbm>>
      tpu.wait_dma2 semaphore(%run_scoped3A : memref<!tpu.dma_semaphore, #tpu.memory_space<semaphore_mem>>) src(%dma_wait3A_30 : memref<32xi32, #tpu.memory_space<hbm>>) dst(%arg7 : memref<32xi32, #tpu.memory_space<vmem>>)
      tpu.yield
    }) : () -> ()
    %iota3A = tpu.iota {dimensions = array<i32: 0>} : vector<16xi32>
    %broadcast_in_dim3A = arith.constant 0xFF800000 : f32
    %broadcast_in_dim3A_5 = vector.broadcast %broadcast_in_dim3A : f32 to vector<16xf32>
    %broadcast_in_dim3A_6 = arith.constant 0 : i32
    %broadcast_in_dim3A_7 = vector.broadcast %broadcast_in_dim3A_6 : i32 to vector<16xi32>
    %add3A_8 = arith.constant 0 : i32
    %add3A_9 = arith.addi %mul3A_2, %add3A_8 : i32
    %dma_start3A = tpu.memref_slice %arg2[%add3A_9] : memref<102400000xf32, #tpu.memory_space<hbm>> -> memref<20000xf32, #tpu.memory_space<hbm>>
    %dma_start3A_10 = tpu.memref_slice %arg2[%add3A_9] : memref<102400000xf32, #tpu.memory_space<hbm>> -> memref<20000xf32, #tpu.memory_space<hbm>>
    tpu.enqueue_dma source(%dma_start3A_10 : memref<20000xf32, #tpu.memory_space<hbm>>) target(%arg5 : memref<20000xf32, #tpu.memory_space<vmem>>) target_semaphore(%arg9 : memref<!tpu.dma_semaphore, #tpu.memory_space<semaphore_mem>>)
    %scan3A = arith.constant 0 : i32
    %scan3A_11 = arith.constant 80 : i32
    %scan3A_12 = arith.addi %scan3A, %scan3A_11 : i32
    %scan3A_13 = arith.constant 1 : i32
    %scan3A_14:4 = scf.for %scan3A_27 = %scan3A to %scan3A_12 step %scan3A_13 iter_args(%scan3A_28 = %broadcast_in_dim3A_5, %scan3A_29 = %broadcast_in_dim3A_7, %scan3A_30 = %broadcast_in_dim3A_7, %scan3A_31 = %broadcast_in_dim3A_7) -> (vector<16xf32>, vector<16xi32>, vector<16xi32>, vector<16xi32>)  : i32 {
      %mul3A_32 = arith.constant 2 : i32
      %mul3A_33 = arith.muli %scan3A_27, %mul3A_32 : i32
      %add3A_34 = arith.constant 0 : i32
      %add3A_35 = arith.addi %mul3A_33, %add3A_34 : i32
      %add3A_36 = arith.constant 1 : i32
      %add3A_37 = arith.addi %add3A_35, %add3A_36 : i32
      %min3A = arith.constant 159 : i32
      %min3A_38 = arith.minsi %add3A_37, %min3A : i32
      %mul3A_39 = arith.constant 20000 : i32
      %mul3A_40 = arith.muli %min3A_38, %mul3A_39 : i32
      %add3A_41 = arith.addi %mul3A_2, %mul3A_40 : i32
      %dma_start3A_42 = tpu.memref_slice %arg2[%add3A_41] : memref<102400000xf32, #tpu.memory_space<hbm>> -> memref<20000xf32, #tpu.memory_space<hbm>>
      %dma_start3A_43 = tpu.memref_slice %arg2[%add3A_41] : memref<102400000xf32, #tpu.memory_space<hbm>> -> memref<20000xf32, #tpu.memory_space<hbm>>
      tpu.enqueue_dma source(%dma_start3A_43 : memref<20000xf32, #tpu.memory_space<hbm>>) target(%arg6 : memref<20000xf32, #tpu.memory_space<vmem>>) target_semaphore(%arg10 : memref<!tpu.dma_semaphore, #tpu.memory_space<semaphore_mem>>)
      %mul3A_44 = arith.constant 20000 : i32
      %mul3A_45 = arith.muli %add3A_35, %mul3A_44 : i32
      %add3A_46 = arith.addi %mul3A_2, %mul3A_45 : i32
      %dma_wait3A_47 = tpu.memref_slice %arg2[%add3A_46] : memref<102400000xf32, #tpu.memory_space<hbm>> -> memref<20000xf32, #tpu.memory_space<hbm>>
      %dma_wait3A_48 = tpu.memref_slice %arg2[%add3A_46] : memref<102400000xf32, #tpu.memory_space<hbm>> -> memref<20000xf32, #tpu.memory_space<hbm>>
      tpu.wait_dma2 semaphore(%arg9 : memref<!tpu.dma_semaphore, #tpu.memory_space<semaphore_mem>>) src(%dma_wait3A_48 : memref<20000xf32, #tpu.memory_space<hbm>>) dst(%arg5 : memref<20000xf32, #tpu.memory_space<vmem>>)
      %jit3A = arith.constant 5 : i32
      %eq3A = arith.constant 0 : i32
      %eq3A_49 = arith.cmpi eq, %jit3A, %eq3A : i32
      %jit3A_50 = arith.constant 1 : i32
      %select_n3A = arith.select %eq3A_49, %jit3A_50, %jit3A : i32
      %rem3A = arith.remsi %add3A_35, %select_n3A : i32
      %ne3A = arith.constant 0 : i32
      %ne3A_51 = arith.cmpi ne, %rem3A, %ne3A : i32
      %lt3A = arith.constant 0 : i32
      %lt3A_52 = arith.cmpi slt, %rem3A, %lt3A : i32
      %lt3A_53 = arith.constant 0 : i32
      %lt3A_54 = arith.cmpi slt, %select_n3A, %lt3A_53 : i32
      %ne3A_55 = arith.xori %lt3A_52, %lt3A_54 : i1
      %and3A = arith.andi %ne3A_55, %ne3A_51 : i1
      %add3A_56 = arith.addi %rem3A, %select_n3A : i32
      %select_n3A_57 = arith.select %and3A, %add3A_56, %rem3A : i32
      %jit3A_58 = arith.constant 5 : i32
      %div3A = arith.divsi %add3A_35, %jit3A_58 : i32
      %sign3A = arith.constant 0 : i32
      %sign3A_59 = arith.cmpi sgt, %add3A_35, %sign3A : i32
      %sign3A_60 = arith.extui %sign3A_59 : i1 to i32
      %sign3A_61 = arith.constant 0 : i32
      %sign3A_62 = arith.cmpi slt, %add3A_35, %sign3A_61 : i32
      %sign3A_63 = arith.extui %sign3A_62 : i1 to i32
      %sign3A_64 = arith.subi %sign3A_60, %sign3A_63 : i32
      %sign3A_65 = arith.constant 0 : i32
      %sign3A_66 = arith.cmpi sgt, %jit3A_58, %sign3A_65 : i32
      %sign3A_67 = arith.extui %sign3A_66 : i1 to i32
      %sign3A_68 = arith.constant 0 : i32
      %sign3A_69 = arith.cmpi slt, %jit3A_58, %sign3A_68 : i32
      %sign3A_70 = arith.extui %sign3A_69 : i1 to i32
      %sign3A_71 = arith.subi %sign3A_67, %sign3A_70 : i32
      %ne3A_72 = arith.cmpi ne, %sign3A_64, %sign3A_71 : i32
      %rem3A_73 = arith.remsi %add3A_35, %jit3A_58 : i32
      %ne3A_74 = arith.constant 0 : i32
      %ne3A_75 = arith.cmpi ne, %rem3A_73, %ne3A_74 : i32
      %and3A_76 = arith.andi %ne3A_72, %ne3A_75 : i1
      %sub3A = arith.constant 1 : i32
      %sub3A_77 = arith.subi %div3A, %sub3A : i32
      %select_n3A_78 = arith.select %and3A_76, %sub3A_77, %div3A : i32
      %eq3A_79 = arith.constant 0 : i32
      %eq3A_80 = arith.cmpi eq, %select_n3A_57, %eq3A_79 : i32
      %select_n3A_81 = arith.select %eq3A_80, %broadcast_in_dim3A_5, %scan3A_28 : vector<16xf32>
      %select_n3A_82 = arith.select %eq3A_80, %broadcast_in_dim3A_7, %scan3A_29 : vector<16xi32>
      %mul3A_83 = arith.constant 20000 : i32
      %mul3A_84 = arith.muli %select_n3A_57, %mul3A_83 : i32
      %scan3A_85 = arith.constant 0 : i32
      %scan3A_86 = arith.constant 250 : i32
      %scan3A_87 = arith.addi %scan3A_85, %scan3A_86 : i32
      %scan3A_88 = arith.constant 1 : i32
      %scan3A_89:2 = scf.for %scan3A_648 = %scan3A_85 to %scan3A_87 step %scan3A_88 iter_args(%scan3A_649 = %select_n3A_81, %scan3A_650 = %select_n3A_82) -> (vector<16xf32>, vector<16xi32>)  : i32 {
        %mul3A_651 = arith.constant 5 : i32
        %mul3A_652 = arith.muli %scan3A_648, %mul3A_651 : i32
        %add3A_653 = arith.constant 0 : i32
        %add3A_654 = arith.addi %mul3A_652, %add3A_653 : i32
        %mul3A_655 = arith.constant 16 : i32
        %mul3A_656 = arith.muli %add3A_654, %mul3A_655 : i32
        %get3A_657 = arith.index_cast %mul3A_656 : i32 to index
        %get3A_658 = tpu.vector_load %arg5[%get3A_657] {strides = array<i32>} : memref<20000xf32, #tpu.memory_space<vmem>>, vector<16xf32>,
        %get3A_659 = vector.shape_cast %get3A_658 : vector<16xf32> to vector<16xf32>
        %mul3A_660 = arith.constant 16 : i32
        %mul3A_661 = arith.muli %add3A_654, %mul3A_660 : i32
        %add3A_662 = arith.addi %mul3A_84, %mul3A_661 : i32
        %broadcast_in_dim3A_663 = vector.broadcast %add3A_662 : i32 to vector<16xi32>
        %max3A = arith.maximumf %scan3A_649, %get3A_659 : vector<16xf32>
        %ne3A_664 = arith.cmpf one, %max3A, %scan3A_649 : vector<16xf32>
        %select_n3A_665 = arith.select %ne3A_664, %broadcast_in_dim3A_663, %scan3A_650 : vector<16xi1>, vector<16xi32>
        %mul3A_666 = arith.constant 5 : i32
        %mul3A_667 = arith.muli %scan3A_648, %mul3A_666 : i32
        %add3A_668 = arith.constant 1 : i32
        %add3A_669 = arith.addi %mul3A_667, %add3A_668 : i32
        %mul3A_670 = arith.constant 16 : i32
        %mul3A_671 = arith.muli %add3A_669, %mul3A_670 : i32
        %get3A_672 = arith.index_cast %mul3A_671 : i32 to index
        %get3A_673 = tpu.vector_load %arg5[%get3A_672] {strides = array<i32>} : memref<20000xf32, #tpu.memory_space<vmem>>, vector<16xf32>,
        %get3A_674 = vector.shape_cast %get3A_673 : vector<16xf32> to vector<16xf32>
        %mul3A_675 = arith.constant 16 : i32
        %mul3A_676 = arith.muli %add3A_669, %mul3A_675 : i32
        %add3A_677 = arith.addi %mul3A_84, %mul3A_676 : i32
        %broadcast_in_dim3A_678 = vector.broadcast %add3A_677 : i32 to vector<16xi32>
        %max3A_679 = arith.maximumf %max3A, %get3A_674 : vector<16xf32>
        %ne3A_680 = arith.cmpf one, %max3A_679, %max3A : vector<16xf32>
        %select_n3A_681 = arith.select %ne3A_680, %broadcast_in_dim3A_678, %select_n3A_665 : vector<16xi1>, vector<16xi32>
        %mul3A_682 = arith.constant 5 : i32
        %mul3A_683 = arith.muli %scan3A_648, %mul3A_682 : i32
        %add3A_684 = arith.constant 2 : i32
        %add3A_685 = arith.addi %mul3A_683, %add3A_684 : i32
        %mul3A_686 = arith.constant 16 : i32
        %mul3A_687 = arith.muli %add3A_685, %mul3A_686 : i32
        %get3A_688 = arith.index_cast %mul3A_687 : i32 to index
        %get3A_689 = tpu.vector_load %arg5[%get3A_688] {strides = array<i32>} : memref<20000xf32, #tpu.memory_space<vmem>>, vector<16xf32>,
        %get3A_690 = vector.shape_cast %get3A_689 : vector<16xf32> to vector<16xf32>
        %mul3A_691 = arith.constant 16 : i32
        %mul3A_692 = arith.muli %add3A_685, %mul3A_691 : i32
        %add3A_693 = arith.addi %mul3A_84, %mul3A_692 : i32
        %broadcast_in_dim3A_694 = vector.broadcast %add3A_693 : i32 to vector<16xi32>
        %max3A_695 = arith.maximumf %max3A_679, %get3A_690 : vector<16xf32>
        %ne3A_696 = arith.cmpf one, %max3A_695, %max3A_679 : vector<16xf32>
        %select_n3A_697 = arith.select %ne3A_696, %broadcast_in_dim3A_694, %select_n3A_681 : vector<16xi1>, vector<16xi32>
        %mul3A_698 = arith.constant 5 : i32
        %mul3A_699 = arith.muli %scan3A_648, %mul3A_698 : i32
        %add3A_700 = arith.constant 3 : i32
        %add3A_701 = arith.addi %mul3A_699, %add3A_700 : i32
        %mul3A_702 = arith.constant 16 : i32
        %mul3A_703 = arith.muli %add3A_701, %mul3A_702 : i32
        %get3A_704 = arith.index_cast %mul3A_703 : i32 to index
        %get3A_705 = tpu.vector_load %arg5[%get3A_704] {strides = array<i32>} : memref<20000xf32, #tpu.memory_space<vmem>>, vector<16xf32>,
        %get3A_706 = vector.shape_cast %get3A_705 : vector<16xf32> to vector<16xf32>
        %mul3A_707 = arith.constant 16 : i32
        %mul3A_708 = arith.muli %add3A_701, %mul3A_707 : i32
        %add3A_709 = arith.addi %mul3A_84, %mul3A_708 : i32
        %broadcast_in_dim3A_710 = vector.broadcast %add3A_709 : i32 to vector<16xi32>
        %max3A_711 = arith.maximumf %max3A_695, %get3A_706 : vector<16xf32>
        %ne3A_712 = arith.cmpf one, %max3A_711, %max3A_695 : vector<16xf32>
        %select_n3A_713 = arith.select %ne3A_712, %broadcast_in_dim3A_710, %select_n3A_697 : vector<16xi1>, vector<16xi32>
        %mul3A_714 = arith.constant 5 : i32
        %mul3A_715 = arith.muli %scan3A_648, %mul3A_714 : i32
        %add3A_716 = arith.constant 4 : i32
        %add3A_717 = arith.addi %mul3A_715, %add3A_716 : i32
        %mul3A_718 = arith.constant 16 : i32
        %mul3A_719 = arith.muli %add3A_717, %mul3A_718 : i32
        %get3A_720 = arith.index_cast %mul3A_719 : i32 to index
        %get3A_721 = tpu.vector_load %arg5[%get3A_720] {strides = array<i32>} : memref<20000xf32, #tpu.memory_space<vmem>>, vector<16xf32>,
        %get3A_722 = vector.shape_cast %get3A_721 : vector<16xf32> to vector<16xf32>
        %mul3A_723 = arith.constant 16 : i32
        %mul3A_724 = arith.muli %add3A_717, %mul3A_723 : i32
        %add3A_725 = arith.addi %mul3A_84, %mul3A_724 : i32
        %broadcast_in_dim3A_726 = vector.broadcast %add3A_725 : i32 to vector<16xi32>
        %max3A_727 = arith.maximumf %max3A_711, %get3A_722 : vector<16xf32>
        %ne3A_728 = arith.cmpf one, %max3A_727, %max3A_711 : vector<16xf32>
        %select_n3A_729 = arith.select %ne3A_728, %broadcast_in_dim3A_726, %select_n3A_713 : vector<16xi1>, vector<16xi32>
        scf.yield %max3A_727, %select_n3A_729 : vector<16xf32>, vector<16xi32>
      }
      %scan3A_90 = arith.constant 250 : i32
      %eq3A_91 = arith.constant 4 : i32
      %eq3A_92 = arith.cmpi eq, %select_n3A_57, %eq3A_91 : i32
      %add3A_93 = arith.addi %scan3A_89#1, %iota3A : vector<16xi32>
      %slice3A = vector.extract_strided_slice %scan3A_89#0 {offsets = [0], sizes = [1], strides = [1]} : vector<16xf32> to vector<1xf32>
      %squeeze3A = vector.extract %slice3A[0] : f32 from vector<1xf32>
      %slice3A_94 = vector.extract_strided_slice %add3A_93 {offsets = [0], sizes = [1], strides = [1]} : vector<16xi32> to vector<1xi32>
      %squeeze3A_95 = vector.extract %slice3A_94[0] : i32 from vector<1xi32>
      %gt3A = arith.constant 0xFF800000 : f32
      %gt3A_96 = arith.cmpf ogt, %squeeze3A, %gt3A : f32
      %eq3A_97 = arith.constant 0xFF800000 : f32
      %eq3A_98 = arith.cmpf oeq, %squeeze3A, %eq3A_97 : f32
      %lt3A_99 = arith.constant 2147483647 : i32
      %lt3A_100 = arith.cmpi slt, %squeeze3A_95, %lt3A_99 : i32
      %and3A_101 = arith.andi %eq3A_98, %lt3A_100 : i1
      %or3A = arith.ori %gt3A_96, %and3A_101 : i1
      %jit3A_102 = arith.constant 0xFF800000 : f32
      %select_n3A_103 = arith.select %or3A, %squeeze3A, %jit3A_102 : f32
      %jit3A_104 = arith.constant 2147483647 : i32
      %select_n3A_105 = arith.select %or3A, %squeeze3A_95, %jit3A_104 : i32
      %slice3A_106 = vector.extract_strided_slice %scan3A_89#0 {offsets = [1], sizes = [1], strides = [1]} : vector<16xf32> to vector<1xf32>
      %squeeze3A_107 = vector.extract %slice3A_106[0] : f32 from vector<1xf32>
      %slice3A_108 = vector.extract_strided_slice %add3A_93 {offsets = [1], sizes = [1], strides = [1]} : vector<16xi32> to vector<1xi32>
      %squeeze3A_109 = vector.extract %slice3A_108[0] : i32 from vector<1xi32>
      %gt3A_110 = arith.cmpf ogt, %squeeze3A_107, %select_n3A_103 : f32
      %eq3A_111 = arith.cmpf oeq, %squeeze3A_107, %select_n3A_103 : f32
      %lt3A_112 = arith.cmpi slt, %squeeze3A_109, %select_n3A_105 : i32
      %and3A_113 = arith.andi %eq3A_111, %lt3A_112 : i1
      %or3A_114 = arith.ori %gt3A_110, %and3A_113 : i1
      %select_n3A_115 = arith.select %or3A_114, %squeeze3A_107, %select_n3A_103 : f32
      %select_n3A_116 = arith.select %or3A_114, %squeeze3A_109, %select_n3A_105 : i32
      %slice3A_117 = vector.extract_strided_slice %scan3A_89#0 {offsets = [2], sizes = [1], strides = [1]} : vector<16xf32> to vector<1xf32>
      %squeeze3A_118 = vector.extract %slice3A_117[0] : f32 from vector<1xf32>
      %slice3A_119 = vector.extract_strided_slice %add3A_93 {offsets = [2], sizes = [1], strides = [1]} : vector<16xi32> to vector<1xi32>
      %squeeze3A_120 = vector.extract %slice3A_119[0] : i32 from vector<1xi32>
      %gt3A_121 = arith.cmpf ogt, %squeeze3A_118, %select_n3A_115 : f32
      %eq3A_122 = arith.cmpf oeq, %squeeze3A_118, %select_n3A_115 : f32
      %lt3A_123 = arith.cmpi slt, %squeeze3A_120, %select_n3A_116 : i32
      %and3A_124 = arith.andi %eq3A_122, %lt3A_123 : i1
      %or3A_125 = arith.ori %gt3A_121, %and3A_124 : i1
      %select_n3A_126 = arith.select %or3A_125, %squeeze3A_118, %select_n3A_115 : f32
      %select_n3A_127 = arith.select %or3A_125, %squeeze3A_120, %select_n3A_116 : i32
      %slice3A_128 = vector.extract_strided_slice %scan3A_89#0 {offsets = [3], sizes = [1], strides = [1]} : vector<16xf32> to vector<1xf32>
      %squeeze3A_129 = vector.extract %slice3A_128[0] : f32 from vector<1xf32>
      %slice3A_130 = vector.extract_strided_slice %add3A_93 {offsets = [3], sizes = [1], strides = [1]} : vector<16xi32> to vector<1xi32>
      %squeeze3A_131 = vector.extract %slice3A_130[0] : i32 from vector<1xi32>
      %gt3A_132 = arith.cmpf ogt, %squeeze3A_129, %select_n3A_126 : f32
      %eq3A_133 = arith.cmpf oeq, %squeeze3A_129, %select_n3A_126 : f32
      %lt3A_134 = arith.cmpi slt, %squeeze3A_131, %select_n3A_127 : i32
      %and3A_135 = arith.andi %eq3A_133, %lt3A_134 : i1
      %or3A_136 = arith.ori %gt3A_132, %and3A_135 : i1
      %select_n3A_137 = arith.select %or3A_136, %squeeze3A_129, %select_n3A_126 : f32
      %select_n3A_138 = arith.select %or3A_136, %squeeze3A_131, %select_n3A_127 : i32
      %slice3A_139 = vector.extract_strided_slice %scan3A_89#0 {offsets = [4], sizes = [1], strides = [1]} : vector<16xf32> to vector<1xf32>
      %squeeze3A_140 = vector.extract %slice3A_139[0] : f32 from vector<1xf32>
      %slice3A_141 = vector.extract_strided_slice %add3A_93 {offsets = [4], sizes = [1], strides = [1]} : vector<16xi32> to vector<1xi32>
      %squeeze3A_142 = vector.extract %slice3A_141[0] : i32 from vector<1xi32>
      %gt3A_143 = arith.cmpf ogt, %squeeze3A_140, %select_n3A_137 : f32
      %eq3A_144 = arith.cmpf oeq, %squeeze3A_140, %select_n3A_137 : f32
      %lt3A_145 = arith.cmpi slt, %squeeze3A_142, %select_n3A_138 : i32
      %and3A_146 = arith.andi %eq3A_144, %lt3A_145 : i1
      %or3A_147 = arith.ori %gt3A_143, %and3A_146 : i1
      %select_n3A_148 = arith.select %or3A_147, %squeeze3A_140, %select_n3A_137 : f32
      %select_n3A_149 = arith.select %or3A_147, %squeeze3A_142, %select_n3A_138 : i32
      %slice3A_150 = vector.extract_strided_slice %scan3A_89#0 {offsets = [5], sizes = [1], strides = [1]} : vector<16xf32> to vector<1xf32>
      %squeeze3A_151 = vector.extract %slice3A_150[0] : f32 from vector<1xf32>
      %slice3A_152 = vector.extract_strided_slice %add3A_93 {offsets = [5], sizes = [1], strides = [1]} : vector<16xi32> to vector<1xi32>
      %squeeze3A_153 = vector.extract %slice3A_152[0] : i32 from vector<1xi32>
      %gt3A_154 = arith.cmpf ogt, %squeeze3A_151, %select_n3A_148 : f32
      %eq3A_155 = arith.cmpf oeq, %squeeze3A_151, %select_n3A_148 : f32
      %lt3A_156 = arith.cmpi slt, %squeeze3A_153, %select_n3A_149 : i32
      %and3A_157 = arith.andi %eq3A_155, %lt3A_156 : i1
      %or3A_158 = arith.ori %gt3A_154, %and3A_157 : i1
      %select_n3A_159 = arith.select %or3A_158, %squeeze3A_151, %select_n3A_148 : f32
      %select_n3A_160 = arith.select %or3A_158, %squeeze3A_153, %select_n3A_149 : i32
      %slice3A_161 = vector.extract_strided_slice %scan3A_89#0 {offsets = [6], sizes = [1], strides = [1]} : vector<16xf32> to vector<1xf32>
      %squeeze3A_162 = vector.extract %slice3A_161[0] : f32 from vector<1xf32>
      %slice3A_163 = vector.extract_strided_slice %add3A_93 {offsets = [6], sizes = [1], strides = [1]} : vector<16xi32> to vector<1xi32>
      %squeeze3A_164 = vector.extract %slice3A_163[0] : i32 from vector<1xi32>
      %gt3A_165 = arith.cmpf ogt, %squeeze3A_162, %select_n3A_159 : f32
      %eq3A_166 = arith.cmpf oeq, %squeeze3A_162, %select_n3A_159 : f32
      %lt3A_167 = arith.cmpi slt, %squeeze3A_164, %select_n3A_160 : i32
      %and3A_168 = arith.andi %eq3A_166, %lt3A_167 : i1
      %or3A_169 = arith.ori %gt3A_165, %and3A_168 : i1
      %select_n3A_170 = arith.select %or3A_169, %squeeze3A_162, %select_n3A_159 : f32
      %select_n3A_171 = arith.select %or3A_169, %squeeze3A_164, %select_n3A_160 : i32
      %slice3A_172 = vector.extract_strided_slice %scan3A_89#0 {offsets = [7], sizes = [1], strides = [1]} : vector<16xf32> to vector<1xf32>
      %squeeze3A_173 = vector.extract %slice3A_172[0] : f32 from vector<1xf32>
      %slice3A_174 = vector.extract_strided_slice %add3A_93 {offsets = [7], sizes = [1], strides = [1]} : vector<16xi32> to vector<1xi32>
      %squeeze3A_175 = vector.extract %slice3A_174[0] : i32 from vector<1xi32>
      %gt3A_176 = arith.cmpf ogt, %squeeze3A_173, %select_n3A_170 : f32
      %eq3A_177 = arith.cmpf oeq, %squeeze3A_173, %select_n3A_170 : f32
      %lt3A_178 = arith.cmpi slt, %squeeze3A_175, %select_n3A_171 : i32
      %and3A_179 = arith.andi %eq3A_177, %lt3A_178 : i1
      %or3A_180 = arith.ori %gt3A_176, %and3A_179 : i1
      %select_n3A_181 = arith.select %or3A_180, %squeeze3A_173, %select_n3A_170 : f32
      %select_n3A_182 = arith.select %or3A_180, %squeeze3A_175, %select_n3A_171 : i32
      %slice3A_183 = vector.extract_strided_slice %scan3A_89#0 {offsets = [8], sizes = [1], strides = [1]} : vector<16xf32> to vector<1xf32>
      %squeeze3A_184 = vector.extract %slice3A_183[0] : f32 from vector<1xf32>
      %slice3A_185 = vector.extract_strided_slice %add3A_93 {offsets = [8], sizes = [1], strides = [1]} : vector<16xi32> to vector<1xi32>
      %squeeze3A_186 = vector.extract %slice3A_185[0] : i32 from vector<1xi32>
      %gt3A_187 = arith.cmpf ogt, %squeeze3A_184, %select_n3A_181 : f32
      %eq3A_188 = arith.cmpf oeq, %squeeze3A_184, %select_n3A_181 : f32
      %lt3A_189 = arith.cmpi slt, %squeeze3A_186, %select_n3A_182 : i32
      %and3A_190 = arith.andi %eq3A_188, %lt3A_189 : i1
      %or3A_191 = arith.ori %gt3A_187, %and3A_190 : i1
      %select_n3A_192 = arith.select %or3A_191, %squeeze3A_184, %select_n3A_181 : f32
      %select_n3A_193 = arith.select %or3A_191, %squeeze3A_186, %select_n3A_182 : i32
      %slice3A_194 = vector.extract_strided_slice %scan3A_89#0 {offsets = [9], sizes = [1], strides = [1]} : vector<16xf32> to vector<1xf32>
      %squeeze3A_195 = vector.extract %slice3A_194[0] : f32 from vector<1xf32>
      %slice3A_196 = vector.extract_strided_slice %add3A_93 {offsets = [9], sizes = [1], strides = [1]} : vector<16xi32> to vector<1xi32>
      %squeeze3A_197 = vector.extract %slice3A_196[0] : i32 from vector<1xi32>
      %gt3A_198 = arith.cmpf ogt, %squeeze3A_195, %select_n3A_192 : f32
      %eq3A_199 = arith.cmpf oeq, %squeeze3A_195, %select_n3A_192 : f32
      %lt3A_200 = arith.cmpi slt, %squeeze3A_197, %select_n3A_193 : i32
      %and3A_201 = arith.andi %eq3A_199, %lt3A_200 : i1
      %or3A_202 = arith.ori %gt3A_198, %and3A_201 : i1
      %select_n3A_203 = arith.select %or3A_202, %squeeze3A_195, %select_n3A_192 : f32
      %select_n3A_204 = arith.select %or3A_202, %squeeze3A_197, %select_n3A_193 : i32
      %slice3A_205 = vector.extract_strided_slice %scan3A_89#0 {offsets = [10], sizes = [1], strides = [1]} : vector<16xf32> to vector<1xf32>
      %squeeze3A_206 = vector.extract %slice3A_205[0] : f32 from vector<1xf32>
      %slice3A_207 = vector.extract_strided_slice %add3A_93 {offsets = [10], sizes = [1], strides = [1]} : vector<16xi32> to vector<1xi32>
      %squeeze3A_208 = vector.extract %slice3A_207[0] : i32 from vector<1xi32>
      %gt3A_209 = arith.cmpf ogt, %squeeze3A_206, %select_n3A_203 : f32
      %eq3A_210 = arith.cmpf oeq, %squeeze3A_206, %select_n3A_203 : f32
      %lt3A_211 = arith.cmpi slt, %squeeze3A_208, %select_n3A_204 : i32
      %and3A_212 = arith.andi %eq3A_210, %lt3A_211 : i1
      %or3A_213 = arith.ori %gt3A_209, %and3A_212 : i1
      %select_n3A_214 = arith.select %or3A_213, %squeeze3A_206, %select_n3A_203 : f32
      %select_n3A_215 = arith.select %or3A_213, %squeeze3A_208, %select_n3A_204 : i32
      %slice3A_216 = vector.extract_strided_slice %scan3A_89#0 {offsets = [11], sizes = [1], strides = [1]} : vector<16xf32> to vector<1xf32>
      %squeeze3A_217 = vector.extract %slice3A_216[0] : f32 from vector<1xf32>
      %slice3A_218 = vector.extract_strided_slice %add3A_93 {offsets = [11], sizes = [1], strides = [1]} : vector<16xi32> to vector<1xi32>
      %squeeze3A_219 = vector.extract %slice3A_218[0] : i32 from vector<1xi32>
      %gt3A_220 = arith.cmpf ogt, %squeeze3A_217, %select_n3A_214 : f32
      %eq3A_221 = arith.cmpf oeq, %squeeze3A_217, %select_n3A_214 : f32
      %lt3A_222 = arith.cmpi slt, %squeeze3A_219, %select_n3A_215 : i32
      %and3A_223 = arith.andi %eq3A_221, %lt3A_222 : i1
      %or3A_224 = arith.ori %gt3A_220, %and3A_223 : i1
      %select_n3A_225 = arith.select %or3A_224, %squeeze3A_217, %select_n3A_214 : f32
      %select_n3A_226 = arith.select %or3A_224, %squeeze3A_219, %select_n3A_215 : i32
      %slice3A_227 = vector.extract_strided_slice %scan3A_89#0 {offsets = [12], sizes = [1], strides = [1]} : vector<16xf32> to vector<1xf32>
      %squeeze3A_228 = vector.extract %slice3A_227[0] : f32 from vector<1xf32>
      %slice3A_229 = vector.extract_strided_slice %add3A_93 {offsets = [12], sizes = [1], strides = [1]} : vector<16xi32> to vector<1xi32>
      %squeeze3A_230 = vector.extract %slice3A_229[0] : i32 from vector<1xi32>
      %gt3A_231 = arith.cmpf ogt, %squeeze3A_228, %select_n3A_225 : f32
      %eq3A_232 = arith.cmpf oeq, %squeeze3A_228, %select_n3A_225 : f32
      %lt3A_233 = arith.cmpi slt, %squeeze3A_230, %select_n3A_226 : i32
      %and3A_234 = arith.andi %eq3A_232, %lt3A_233 : i1
      %or3A_235 = arith.ori %gt3A_231, %and3A_234 : i1
      %select_n3A_236 = arith.select %or3A_235, %squeeze3A_228, %select_n3A_225 : f32
      %select_n3A_237 = arith.select %or3A_235, %squeeze3A_230, %select_n3A_226 : i32
      %slice3A_238 = vector.extract_strided_slice %scan3A_89#0 {offsets = [13], sizes = [1], strides = [1]} : vector<16xf32> to vector<1xf32>
      %squeeze3A_239 = vector.extract %slice3A_238[0] : f32 from vector<1xf32>
      %slice3A_240 = vector.extract_strided_slice %add3A_93 {offsets = [13], sizes = [1], strides = [1]} : vector<16xi32> to vector<1xi32>
      %squeeze3A_241 = vector.extract %slice3A_240[0] : i32 from vector<1xi32>
      %gt3A_242 = arith.cmpf ogt, %squeeze3A_239, %select_n3A_236 : f32
      %eq3A_243 = arith.cmpf oeq, %squeeze3A_239, %select_n3A_236 : f32
      %lt3A_244 = arith.cmpi slt, %squeeze3A_241, %select_n3A_237 : i32
      %and3A_245 = arith.andi %eq3A_243, %lt3A_244 : i1
      %or3A_246 = arith.ori %gt3A_242, %and3A_245 : i1
      %select_n3A_247 = arith.select %or3A_246, %squeeze3A_239, %select_n3A_236 : f32
      %select_n3A_248 = arith.select %or3A_246, %squeeze3A_241, %select_n3A_237 : i32
      %slice3A_249 = vector.extract_strided_slice %scan3A_89#0 {offsets = [14], sizes = [1], strides = [1]} : vector<16xf32> to vector<1xf32>
      %squeeze3A_250 = vector.extract %slice3A_249[0] : f32 from vector<1xf32>
      %slice3A_251 = vector.extract_strided_slice %add3A_93 {offsets = [14], sizes = [1], strides = [1]} : vector<16xi32> to vector<1xi32>
      %squeeze3A_252 = vector.extract %slice3A_251[0] : i32 from vector<1xi32>
      %gt3A_253 = arith.cmpf ogt, %squeeze3A_250, %select_n3A_247 : f32
      %eq3A_254 = arith.cmpf oeq, %squeeze3A_250, %select_n3A_247 : f32
      %lt3A_255 = arith.cmpi slt, %squeeze3A_252, %select_n3A_248 : i32
      %and3A_256 = arith.andi %eq3A_254, %lt3A_255 : i1
      %or3A_257 = arith.ori %gt3A_253, %and3A_256 : i1
      %select_n3A_258 = arith.select %or3A_257, %squeeze3A_250, %select_n3A_247 : f32
      %select_n3A_259 = arith.select %or3A_257, %squeeze3A_252, %select_n3A_248 : i32
      %slice3A_260 = vector.extract_strided_slice %scan3A_89#0 {offsets = [15], sizes = [1], strides = [1]} : vector<16xf32> to vector<1xf32>
      %squeeze3A_261 = vector.extract %slice3A_260[0] : f32 from vector<1xf32>
      %slice3A_262 = vector.extract_strided_slice %add3A_93 {offsets = [15], sizes = [1], strides = [1]} : vector<16xi32> to vector<1xi32>
      %squeeze3A_263 = vector.extract %slice3A_262[0] : i32 from vector<1xi32>
      %gt3A_264 = arith.cmpf ogt, %squeeze3A_261, %select_n3A_258 : f32
      %eq3A_265 = arith.cmpf oeq, %squeeze3A_261, %select_n3A_258 : f32
      %lt3A_266 = arith.cmpi slt, %squeeze3A_263, %select_n3A_259 : i32
      %and3A_267 = arith.andi %eq3A_265, %lt3A_266 : i1
      %or3A_268 = arith.ori %gt3A_264, %and3A_267 : i1
      %select_n3A_269 = arith.select %or3A_268, %squeeze3A_261, %select_n3A_258 : f32
      %select_n3A_270 = arith.select %or3A_268, %squeeze3A_263, %select_n3A_259 : i32
      %jit3A_271 = arith.constant 16 : i32
      %eq3A_272 = arith.constant 0 : i32
      %eq3A_273 = arith.cmpi eq, %jit3A_271, %eq3A_272 : i32
      %jit3A_274 = arith.constant 1 : i32
      %select_n3A_275 = arith.select %eq3A_273, %jit3A_274, %jit3A_271 : i32
      %rem3A_276 = arith.remsi %select_n3A_78, %select_n3A_275 : i32
      %ne3A_277 = arith.constant 0 : i32
      %ne3A_278 = arith.cmpi ne, %rem3A_276, %ne3A_277 : i32
      %lt3A_279 = arith.constant 0 : i32
      %lt3A_280 = arith.cmpi slt, %rem3A_276, %lt3A_279 : i32
      %lt3A_281 = arith.constant 0 : i32
      %lt3A_282 = arith.cmpi slt, %select_n3A_275, %lt3A_281 : i32
      %ne3A_283 = arith.xori %lt3A_280, %lt3A_282 : i1
      %and3A_284 = arith.andi %ne3A_283, %ne3A_278 : i1
      %add3A_285 = arith.addi %rem3A_276, %select_n3A_275 : i32
      %select_n3A_286 = arith.select %and3A_284, %add3A_285, %rem3A_276 : i32
      %jit3A_287 = arith.constant -1 : i32
      %select_n3A_288 = arith.select %eq3A_92, %select_n3A_286, %jit3A_287 : i32
      %broadcast_in_dim3A_289 = vector.broadcast %select_n3A_288 : i32 to vector<16xi32>
      %eq3A_290 = arith.cmpi eq, %iota3A, %broadcast_in_dim3A_289 : vector<16xi32>
      %broadcast_in_dim3A_291 = vector.broadcast %select_n3A_270 : i32 to vector<16xi32>
      %select_n3A_292 = arith.select %eq3A_290, %broadcast_in_dim3A_291, %scan3A_30 : vector<16xi1>, vector<16xi32>
      %eq3A_293 = arith.constant 15 : i32
      %eq3A_294 = arith.cmpi eq, %select_n3A_286, %eq3A_293 : i32
      %and3A_295 = arith.andi %eq3A_92, %eq3A_294 : i1
      %jit3A_296 = arith.constant 16 : i32
      %div3A_297 = arith.divsi %select_n3A_78, %jit3A_296 : i32
      %sign3A_298 = arith.constant 0 : i32
      %sign3A_299 = arith.cmpi sgt, %select_n3A_78, %sign3A_298 : i32
      %sign3A_300 = arith.extui %sign3A_299 : i1 to i32
      %sign3A_301 = arith.constant 0 : i32
      %sign3A_302 = arith.cmpi slt, %select_n3A_78, %sign3A_301 : i32
      %sign3A_303 = arith.extui %sign3A_302 : i1 to i32
      %sign3A_304 = arith.subi %sign3A_300, %sign3A_303 : i32
      %sign3A_305 = arith.constant 0 : i32
      %sign3A_306 = arith.cmpi sgt, %jit3A_296, %sign3A_305 : i32
      %sign3A_307 = arith.extui %sign3A_306 : i1 to i32
      %sign3A_308 = arith.constant 0 : i32
      %sign3A_309 = arith.cmpi slt, %jit3A_296, %sign3A_308 : i32
      %sign3A_310 = arith.extui %sign3A_309 : i1 to i32
      %sign3A_311 = arith.subi %sign3A_307, %sign3A_310 : i32
      %ne3A_312 = arith.cmpi ne, %sign3A_304, %sign3A_311 : i32
      %rem3A_313 = arith.remsi %select_n3A_78, %jit3A_296 : i32
      %ne3A_314 = arith.constant 0 : i32
      %ne3A_315 = arith.cmpi ne, %rem3A_313, %ne3A_314 : i32
      %and3A_316 = arith.andi %ne3A_312, %ne3A_315 : i1
      %sub3A_317 = arith.constant 1 : i32
      %sub3A_318 = arith.subi %div3A_297, %sub3A_317 : i32
      %select_n3A_319 = arith.select %and3A_316, %sub3A_318, %div3A_297 : i32
      %mul3A_320 = arith.constant 16 : i32
      %mul3A_321 = arith.muli %select_n3A_319, %mul3A_320 : i32
      %get3A = arith.index_cast %mul3A_321 : i32 to index
      %get3A_322 = tpu.vector_load %arg7[%get3A] {strides = array<i32>} : memref<32xi32, #tpu.memory_space<vmem>>, vector<16xi32>,
      %get3A_323 = vector.shape_cast %get3A_322 : vector<16xi32> to vector<16xi32>
      %eq3A_324 = arith.cmpi eq, %select_n3A_292, %get3A_323 : vector<16xi32>
      %jit3A_325 = arith.constant 1 : i32
      %jit3A_326 = arith.constant 0 : i32
      %broadcast_in_dim3A_327 = vector.broadcast %jit3A_325 : i32 to vector<16xi32>
      %broadcast_in_dim3A_328 = vector.broadcast %jit3A_326 : i32 to vector<16xi32>
      %select_n3A_329 = arith.select %eq3A_324, %broadcast_in_dim3A_327, %broadcast_in_dim3A_328 : vector<16xi1>, vector<16xi32>
      %add3A_330 = arith.addi %scan3A_31, %select_n3A_329 : vector<16xi32>
      %select_n3A_331 = arith.select %and3A_295, %add3A_330, %scan3A_31 : vector<16xi32>
      %mul3A_332 = arith.constant 2 : i32
      %mul3A_333 = arith.muli %scan3A_27, %mul3A_332 : i32
      %add3A_334 = arith.constant 1 : i32
      %add3A_335 = arith.addi %mul3A_333, %add3A_334 : i32
      %add3A_336 = arith.constant 1 : i32
      %add3A_337 = arith.addi %add3A_335, %add3A_336 : i32
      %min3A_338 = arith.constant 159 : i32
      %min3A_339 = arith.minsi %add3A_337, %min3A_338 : i32
      %mul3A_340 = arith.constant 20000 : i32
      %mul3A_341 = arith.muli %min3A_339, %mul3A_340 : i32
      %add3A_342 = arith.addi %mul3A_2, %mul3A_341 : i32
      %dma_start3A_343 = tpu.memref_slice %arg2[%add3A_342] : memref<102400000xf32, #tpu.memory_space<hbm>> -> memref<20000xf32, #tpu.memory_space<hbm>>
      %dma_start3A_344 = tpu.memref_slice %arg2[%add3A_342] : memref<102400000xf32, #tpu.memory_space<hbm>> -> memref<20000xf32, #tpu.memory_space<hbm>>
      tpu.enqueue_dma source(%dma_start3A_344 : memref<20000xf32, #tpu.memory_space<hbm>>) target(%arg5 : memref<20000xf32, #tpu.memory_space<vmem>>) target_semaphore(%arg9 : memref<!tpu.dma_semaphore, #tpu.memory_space<semaphore_mem>>)
      %mul3A_345 = arith.constant 20000 : i32
      %mul3A_346 = arith.muli %add3A_335, %mul3A_345 : i32
      %add3A_347 = arith.addi %mul3A_2, %mul3A_346 : i32
      %dma_wait3A_348 = tpu.memref_slice %arg2[%add3A_347] : memref<102400000xf32, #tpu.memory_space<hbm>> -> memref<20000xf32, #tpu.memory_space<hbm>>
      %dma_wait3A_349 = tpu.memref_slice %arg2[%add3A_347] : memref<102400000xf32, #tpu.memory_space<hbm>> -> memref<20000xf32, #tpu.memory_space<hbm>>
      tpu.wait_dma2 semaphore(%arg10 : memref<!tpu.dma_semaphore, #tpu.memory_space<semaphore_mem>>) src(%dma_wait3A_349 : memref<20000xf32, #tpu.memory_space<hbm>>) dst(%arg6 : memref<20000xf32, #tpu.memory_space<vmem>>)
      %jit3A_350 = arith.constant 5 : i32
      %eq3A_351 = arith.constant 0 : i32
      %eq3A_352 = arith.cmpi eq, %jit3A_350, %eq3A_351 : i32
      %jit3A_353 = arith.constant 1 : i32
      %select_n3A_354 = arith.select %eq3A_352, %jit3A_353, %jit3A_350 : i32
      %rem3A_355 = arith.remsi %add3A_335, %select_n3A_354 : i32
      %ne3A_356 = arith.constant 0 : i32
      %ne3A_357 = arith.cmpi ne, %rem3A_355, %ne3A_356 : i32
      %lt3A_358 = arith.constant 0 : i32
      %lt3A_359 = arith.cmpi slt, %rem3A_355, %lt3A_358 : i32
      %lt3A_360 = arith.constant 0 : i32
      %lt3A_361 = arith.cmpi slt, %select_n3A_354, %lt3A_360 : i32
      %ne3A_362 = arith.xori %lt3A_359, %lt3A_361 : i1
      %and3A_363 = arith.andi %ne3A_362, %ne3A_357 : i1
      %add3A_364 = arith.addi %rem3A_355, %select_n3A_354 : i32
      %select_n3A_365 = arith.select %and3A_363, %add3A_364, %rem3A_355 : i32
      %jit3A_366 = arith.constant 5 : i32
      %div3A_367 = arith.divsi %add3A_335, %jit3A_366 : i32
      %sign3A_368 = arith.constant 0 : i32
      %sign3A_369 = arith.cmpi sgt, %add3A_335, %sign3A_368 : i32
      %sign3A_370 = arith.extui %sign3A_369 : i1 to i32
      %sign3A_371 = arith.constant 0 : i32
      %sign3A_372 = arith.cmpi slt, %add3A_335, %sign3A_371 : i32
      %sign3A_373 = arith.extui %sign3A_372 : i1 to i32
      %sign3A_374 = arith.subi %sign3A_370, %sign3A_373 : i32
      %sign3A_375 = arith.constant 0 : i32
      %sign3A_376 = arith.cmpi sgt, %jit3A_366, %sign3A_375 : i32
      %sign3A_377 = arith.extui %sign3A_376 : i1 to i32
      %sign3A_378 = arith.constant 0 : i32
      %sign3A_379 = arith.cmpi slt, %jit3A_366, %sign3A_378 : i32
      %sign3A_380 = arith.extui %sign3A_379 : i1 to i32
      %sign3A_381 = arith.subi %sign3A_377, %sign3A_380 : i32
      %ne3A_382 = arith.cmpi ne, %sign3A_374, %sign3A_381 : i32
      %rem3A_383 = arith.remsi %add3A_335, %jit3A_366 : i32
      %ne3A_384 = arith.constant 0 : i32
      %ne3A_385 = arith.cmpi ne, %rem3A_383, %ne3A_384 : i32
      %and3A_386 = arith.andi %ne3A_382, %ne3A_385 : i1
      %sub3A_387 = arith.constant 1 : i32
      %sub3A_388 = arith.subi %div3A_367, %sub3A_387 : i32
      %select_n3A_389 = arith.select %and3A_386, %sub3A_388, %div3A_367 : i32
      %eq3A_390 = arith.constant 0 : i32
      %eq3A_391 = arith.cmpi eq, %select_n3A_365, %eq3A_390 : i32
      %select_n3A_392 = arith.select %eq3A_391, %broadcast_in_dim3A_5, %scan3A_89#0 : vector<16xf32>
      %select_n3A_393 = arith.select %eq3A_391, %broadcast_in_dim3A_7, %scan3A_89#1 : vector<16xi32>
      %mul3A_394 = arith.constant 20000 : i32
      %mul3A_395 = arith.muli %select_n3A_365, %mul3A_394 : i32
      %scan3A_396 = arith.constant 0 : i32
      %scan3A_397 = arith.constant 250 : i32
      %scan3A_398 = arith.addi %scan3A_396, %scan3A_397 : i32
      %scan3A_399 = arith.constant 1 : i32
      %scan3A_400:2 = scf.for %scan3A_648 = %scan3A_396 to %scan3A_398 step %scan3A_399 iter_args(%scan3A_649 = %select_n3A_392, %scan3A_650 = %select_n3A_393) -> (vector<16xf32>, vector<16xi32>)  : i32 {
        %mul3A_651 = arith.constant 5 : i32
        %mul3A_652 = arith.muli %scan3A_648, %mul3A_651 : i32
        %add3A_653 = arith.constant 0 : i32
        %add3A_654 = arith.addi %mul3A_652, %add3A_653 : i32
        %mul3A_655 = arith.constant 16 : i32
        %mul3A_656 = arith.muli %add3A_654, %mul3A_655 : i32
        %get3A_657 = arith.index_cast %mul3A_656 : i32 to index
        %get3A_658 = tpu.vector_load %arg6[%get3A_657] {strides = array<i32>} : memref<20000xf32, #tpu.memory_space<vmem>>, vector<16xf32>,
        %get3A_659 = vector.shape_cast %get3A_658 : vector<16xf32> to vector<16xf32>
        %mul3A_660 = arith.constant 16 : i32
        %mul3A_661 = arith.muli %add3A_654, %mul3A_660 : i32
        %add3A_662 = arith.addi %mul3A_395, %mul3A_661 : i32
        %broadcast_in_dim3A_663 = vector.broadcast %add3A_662 : i32 to vector<16xi32>
        %max3A = arith.maximumf %scan3A_649, %get3A_659 : vector<16xf32>
        %ne3A_664 = arith.cmpf one, %max3A, %scan3A_649 : vector<16xf32>
        %select_n3A_665 = arith.select %ne3A_664, %broadcast_in_dim3A_663, %scan3A_650 : vector<16xi1>, vector<16xi32>
        %mul3A_666 = arith.constant 5 : i32
        %mul3A_667 = arith.muli %scan3A_648, %mul3A_666 : i32
        %add3A_668 = arith.constant 1 : i32
        %add3A_669 = arith.addi %mul3A_667, %add3A_668 : i32
        %mul3A_670 = arith.constant 16 : i32
        %mul3A_671 = arith.muli %add3A_669, %mul3A_670 : i32
        %get3A_672 = arith.index_cast %mul3A_671 : i32 to index
        %get3A_673 = tpu.vector_load %arg6[%get3A_672] {strides = array<i32>} : memref<20000xf32, #tpu.memory_space<vmem>>, vector<16xf32>,
        %get3A_674 = vector.shape_cast %get3A_673 : vector<16xf32> to vector<16xf32>
        %mul3A_675 = arith.constant 16 : i32
        %mul3A_676 = arith.muli %add3A_669, %mul3A_675 : i32
        %add3A_677 = arith.addi %mul3A_395, %mul3A_676 : i32
        %broadcast_in_dim3A_678 = vector.broadcast %add3A_677 : i32 to vector<16xi32>
        %max3A_679 = arith.maximumf %max3A, %get3A_674 : vector<16xf32>
        %ne3A_680 = arith.cmpf one, %max3A_679, %max3A : vector<16xf32>
        %select_n3A_681 = arith.select %ne3A_680, %broadcast_in_dim3A_678, %select_n3A_665 : vector<16xi1>, vector<16xi32>
        %mul3A_682 = arith.constant 5 : i32
        %mul3A_683 = arith.muli %scan3A_648, %mul3A_682 : i32
        %add3A_684 = arith.constant 2 : i32
        %add3A_685 = arith.addi %mul3A_683, %add3A_684 : i32
        %mul3A_686 = arith.constant 16 : i32
        %mul3A_687 = arith.muli %add3A_685, %mul3A_686 : i32
        %get3A_688 = arith.index_cast %mul3A_687 : i32 to index
        %get3A_689 = tpu.vector_load %arg6[%get3A_688] {strides = array<i32>} : memref<20000xf32, #tpu.memory_space<vmem>>, vector<16xf32>,
        %get3A_690 = vector.shape_cast %get3A_689 : vector<16xf32> to vector<16xf32>
        %mul3A_691 = arith.constant 16 : i32
        %mul3A_692 = arith.muli %add3A_685, %mul3A_691 : i32
        %add3A_693 = arith.addi %mul3A_395, %mul3A_692 : i32
        %broadcast_in_dim3A_694 = vector.broadcast %add3A_693 : i32 to vector<16xi32>
        %max3A_695 = arith.maximumf %max3A_679, %get3A_690 : vector<16xf32>
        %ne3A_696 = arith.cmpf one, %max3A_695, %max3A_679 : vector<16xf32>
        %select_n3A_697 = arith.select %ne3A_696, %broadcast_in_dim3A_694, %select_n3A_681 : vector<16xi1>, vector<16xi32>
        %mul3A_698 = arith.constant 5 : i32
        %mul3A_699 = arith.muli %scan3A_648, %mul3A_698 : i32
        %add3A_700 = arith.constant 3 : i32
        %add3A_701 = arith.addi %mul3A_699, %add3A_700 : i32
        %mul3A_702 = arith.constant 16 : i32
        %mul3A_703 = arith.muli %add3A_701, %mul3A_702 : i32
        %get3A_704 = arith.index_cast %mul3A_703 : i32 to index
        %get3A_705 = tpu.vector_load %arg6[%get3A_704] {strides = array<i32>} : memref<20000xf32, #tpu.memory_space<vmem>>, vector<16xf32>,
        %get3A_706 = vector.shape_cast %get3A_705 : vector<16xf32> to vector<16xf32>
        %mul3A_707 = arith.constant 16 : i32
        %mul3A_708 = arith.muli %add3A_701, %mul3A_707 : i32
        %add3A_709 = arith.addi %mul3A_395, %mul3A_708 : i32
        %broadcast_in_dim3A_710 = vector.broadcast %add3A_709 : i32 to vector<16xi32>
        %max3A_711 = arith.maximumf %max3A_695, %get3A_706 : vector<16xf32>
        %ne3A_712 = arith.cmpf one, %max3A_711, %max3A_695 : vector<16xf32>
        %select_n3A_713 = arith.select %ne3A_712, %broadcast_in_dim3A_710, %select_n3A_697 : vector<16xi1>, vector<16xi32>
        %mul3A_714 = arith.constant 5 : i32
        %mul3A_715 = arith.muli %scan3A_648, %mul3A_714 : i32
        %add3A_716 = arith.constant 4 : i32
        %add3A_717 = arith.addi %mul3A_715, %add3A_716 : i32
        %mul3A_718 = arith.constant 16 : i32
        %mul3A_719 = arith.muli %add3A_717, %mul3A_718 : i32
        %get3A_720 = arith.index_cast %mul3A_719 : i32 to index
        %get3A_721 = tpu.vector_load %arg6[%get3A_720] {strides = array<i32>} : memref<20000xf32, #tpu.memory_space<vmem>>, vector<16xf32>,
        %get3A_722 = vector.shape_cast %get3A_721 : vector<16xf32> to vector<16xf32>
        %mul3A_723 = arith.constant 16 : i32
        %mul3A_724 = arith.muli %add3A_717, %mul3A_723 : i32
        %add3A_725 = arith.addi %mul3A_395, %mul3A_724 : i32
        %broadcast_in_dim3A_726 = vector.broadcast %add3A_725 : i32 to vector<16xi32>
        %max3A_727 = arith.maximumf %max3A_711, %get3A_722 : vector<16xf32>
        %ne3A_728 = arith.cmpf one, %max3A_727, %max3A_711 : vector<16xf32>
        %select_n3A_729 = arith.select %ne3A_728, %broadcast_in_dim3A_726, %select_n3A_713 : vector<16xi1>, vector<16xi32>
        scf.yield %max3A_727, %select_n3A_729 : vector<16xf32>, vector<16xi32>
      }
      %scan3A_401 = arith.constant 250 : i32
      %eq3A_402 = arith.constant 4 : i32
      %eq3A_403 = arith.cmpi eq, %select_n3A_365, %eq3A_402 : i32
      %add3A_404 = arith.addi %scan3A_400#1, %iota3A : vector<16xi32>
      %slice3A_405 = vector.extract_strided_slice %scan3A_400#0 {offsets = [0], sizes = [1], strides = [1]} : vector<16xf32> to vector<1xf32>
      %squeeze3A_406 = vector.extract %slice3A_405[0] : f32 from vector<1xf32>
      %slice3A_407 = vector.extract_strided_slice %add3A_404 {offsets = [0], sizes = [1], strides = [1]} : vector<16xi32> to vector<1xi32>
      %squeeze3A_408 = vector.extract %slice3A_407[0] : i32 from vector<1xi32>
      %gt3A_409 = arith.constant 0xFF800000 : f32
      %gt3A_410 = arith.cmpf ogt, %squeeze3A_406, %gt3A_409 : f32
      %eq3A_411 = arith.constant 0xFF800000 : f32
      %eq3A_412 = arith.cmpf oeq, %squeeze3A_406, %eq3A_411 : f32
      %lt3A_413 = arith.constant 2147483647 : i32
      %lt3A_414 = arith.cmpi slt, %squeeze3A_408, %lt3A_413 : i32
      %and3A_415 = arith.andi %eq3A_412, %lt3A_414 : i1
      %or3A_416 = arith.ori %gt3A_410, %and3A_415 : i1
      %jit3A_417 = arith.constant 0xFF800000 : f32
      %select_n3A_418 = arith.select %or3A_416, %squeeze3A_406, %jit3A_417 : f32
      %jit3A_419 = arith.constant 2147483647 : i32
      %select_n3A_420 = arith.select %or3A_416, %squeeze3A_408, %jit3A_419 : i32
      %slice3A_421 = vector.extract_strided_slice %scan3A_400#0 {offsets = [1], sizes = [1], strides = [1]} : vector<16xf32> to vector<1xf32>
      %squeeze3A_422 = vector.extract %slice3A_421[0] : f32 from vector<1xf32>
      %slice3A_423 = vector.extract_strided_slice %add3A_404 {offsets = [1], sizes = [1], strides = [1]} : vector<16xi32> to vector<1xi32>
      %squeeze3A_424 = vector.extract %slice3A_423[0] : i32 from vector<1xi32>
      %gt3A_425 = arith.cmpf ogt, %squeeze3A_422, %select_n3A_418 : f32
      %eq3A_426 = arith.cmpf oeq, %squeeze3A_422, %select_n3A_418 : f32
      %lt3A_427 = arith.cmpi slt, %squeeze3A_424, %select_n3A_420 : i32
      %and3A_428 = arith.andi %eq3A_426, %lt3A_427 : i1
      %or3A_429 = arith.ori %gt3A_425, %and3A_428 : i1
      %select_n3A_430 = arith.select %or3A_429, %squeeze3A_422, %select_n3A_418 : f32
      %select_n3A_431 = arith.select %or3A_429, %squeeze3A_424, %select_n3A_420 : i32
      %slice3A_432 = vector.extract_strided_slice %scan3A_400#0 {offsets = [2], sizes = [1], strides = [1]} : vector<16xf32> to vector<1xf32>
      %squeeze3A_433 = vector.extract %slice3A_432[0] : f32 from vector<1xf32>
      %slice3A_434 = vector.extract_strided_slice %add3A_404 {offsets = [2], sizes = [1], strides = [1]} : vector<16xi32> to vector<1xi32>
      %squeeze3A_435 = vector.extract %slice3A_434[0] : i32 from vector<1xi32>
      %gt3A_436 = arith.cmpf ogt, %squeeze3A_433, %select_n3A_430 : f32
      %eq3A_437 = arith.cmpf oeq, %squeeze3A_433, %select_n3A_430 : f32
      %lt3A_438 = arith.cmpi slt, %squeeze3A_435, %select_n3A_431 : i32
      %and3A_439 = arith.andi %eq3A_437, %lt3A_438 : i1
      %or3A_440 = arith.ori %gt3A_436, %and3A_439 : i1
      %select_n3A_441 = arith.select %or3A_440, %squeeze3A_433, %select_n3A_430 : f32
      %select_n3A_442 = arith.select %or3A_440, %squeeze3A_435, %select_n3A_431 : i32
      %slice3A_443 = vector.extract_strided_slice %scan3A_400#0 {offsets = [3], sizes = [1], strides = [1]} : vector<16xf32> to vector<1xf32>
      %squeeze3A_444 = vector.extract %slice3A_443[0] : f32 from vector<1xf32>
      %slice3A_445 = vector.extract_strided_slice %add3A_404 {offsets = [3], sizes = [1], strides = [1]} : vector<16xi32> to vector<1xi32>
      %squeeze3A_446 = vector.extract %slice3A_445[0] : i32 from vector<1xi32>
      %gt3A_447 = arith.cmpf ogt, %squeeze3A_444, %select_n3A_441 : f32
      %eq3A_448 = arith.cmpf oeq, %squeeze3A_444, %select_n3A_441 : f32
      %lt3A_449 = arith.cmpi slt, %squeeze3A_446, %select_n3A_442 : i32
      %and3A_450 = arith.andi %eq3A_448, %lt3A_449 : i1
      %or3A_451 = arith.ori %gt3A_447, %and3A_450 : i1
      %select_n3A_452 = arith.select %or3A_451, %squeeze3A_444, %select_n3A_441 : f32
      %select_n3A_453 = arith.select %or3A_451, %squeeze3A_446, %select_n3A_442 : i32
      %slice3A_454 = vector.extract_strided_slice %scan3A_400#0 {offsets = [4], sizes = [1], strides = [1]} : vector<16xf32> to vector<1xf32>
      %squeeze3A_455 = vector.extract %slice3A_454[0] : f32 from vector<1xf32>
      %slice3A_456 = vector.extract_strided_slice %add3A_404 {offsets = [4], sizes = [1], strides = [1]} : vector<16xi32> to vector<1xi32>
      %squeeze3A_457 = vector.extract %slice3A_456[0] : i32 from vector<1xi32>
      %gt3A_458 = arith.cmpf ogt, %squeeze3A_455, %select_n3A_452 : f32
      %eq3A_459 = arith.cmpf oeq, %squeeze3A_455, %select_n3A_452 : f32
      %lt3A_460 = arith.cmpi slt, %squeeze3A_457, %select_n3A_453 : i32
      %and3A_461 = arith.andi %eq3A_459, %lt3A_460 : i1
      %or3A_462 = arith.ori %gt3A_458, %and3A_461 : i1
      %select_n3A_463 = arith.select %or3A_462, %squeeze3A_455, %select_n3A_452 : f32
      %select_n3A_464 = arith.select %or3A_462, %squeeze3A_457, %select_n3A_453 : i32
      %slice3A_465 = vector.extract_strided_slice %scan3A_400#0 {offsets = [5], sizes = [1], strides = [1]} : vector<16xf32> to vector<1xf32>
      %squeeze3A_466 = vector.extract %slice3A_465[0] : f32 from vector<1xf32>
      %slice3A_467 = vector.extract_strided_slice %add3A_404 {offsets = [5], sizes = [1], strides = [1]} : vector<16xi32> to vector<1xi32>
      %squeeze3A_468 = vector.extract %slice3A_467[0] : i32 from vector<1xi32>
      %gt3A_469 = arith.cmpf ogt, %squeeze3A_466, %select_n3A_463 : f32
      %eq3A_470 = arith.cmpf oeq, %squeeze3A_466, %select_n3A_463 : f32
      %lt3A_471 = arith.cmpi slt, %squeeze3A_468, %select_n3A_464 : i32
      %and3A_472 = arith.andi %eq3A_470, %lt3A_471 : i1
      %or3A_473 = arith.ori %gt3A_469, %and3A_472 : i1
      %select_n3A_474 = arith.select %or3A_473, %squeeze3A_466, %select_n3A_463 : f32
      %select_n3A_475 = arith.select %or3A_473, %squeeze3A_468, %select_n3A_464 : i32
      %slice3A_476 = vector.extract_strided_slice %scan3A_400#0 {offsets = [6], sizes = [1], strides = [1]} : vector<16xf32> to vector<1xf32>
      %squeeze3A_477 = vector.extract %slice3A_476[0] : f32 from vector<1xf32>
      %slice3A_478 = vector.extract_strided_slice %add3A_404 {offsets = [6], sizes = [1], strides = [1]} : vector<16xi32> to vector<1xi32>
      %squeeze3A_479 = vector.extract %slice3A_478[0] : i32 from vector<1xi32>
      %gt3A_480 = arith.cmpf ogt, %squeeze3A_477, %select_n3A_474 : f32
      %eq3A_481 = arith.cmpf oeq, %squeeze3A_477, %select_n3A_474 : f32
      %lt3A_482 = arith.cmpi slt, %squeeze3A_479, %select_n3A_475 : i32
      %and3A_483 = arith.andi %eq3A_481, %lt3A_482 : i1
      %or3A_484 = arith.ori %gt3A_480, %and3A_483 : i1
      %select_n3A_485 = arith.select %or3A_484, %squeeze3A_477, %select_n3A_474 : f32
      %select_n3A_486 = arith.select %or3A_484, %squeeze3A_479, %select_n3A_475 : i32
      %slice3A_487 = vector.extract_strided_slice %scan3A_400#0 {offsets = [7], sizes = [1], strides = [1]} : vector<16xf32> to vector<1xf32>
      %squeeze3A_488 = vector.extract %slice3A_487[0] : f32 from vector<1xf32>
      %slice3A_489 = vector.extract_strided_slice %add3A_404 {offsets = [7], sizes = [1], strides = [1]} : vector<16xi32> to vector<1xi32>
      %squeeze3A_490 = vector.extract %slice3A_489[0] : i32 from vector<1xi32>
      %gt3A_491 = arith.cmpf ogt, %squeeze3A_488, %select_n3A_485 : f32
      %eq3A_492 = arith.cmpf oeq, %squeeze3A_488, %select_n3A_485 : f32
      %lt3A_493 = arith.cmpi slt, %squeeze3A_490, %select_n3A_486 : i32
      %and3A_494 = arith.andi %eq3A_492, %lt3A_493 : i1
      %or3A_495 = arith.ori %gt3A_491, %and3A_494 : i1
      %select_n3A_496 = arith.select %or3A_495, %squeeze3A_488, %select_n3A_485 : f32
      %select_n3A_497 = arith.select %or3A_495, %squeeze3A_490, %select_n3A_486 : i32
      %slice3A_498 = vector.extract_strided_slice %scan3A_400#0 {offsets = [8], sizes = [1], strides = [1]} : vector<16xf32> to vector<1xf32>
      %squeeze3A_499 = vector.extract %slice3A_498[0] : f32 from vector<1xf32>
      %slice3A_500 = vector.extract_strided_slice %add3A_404 {offsets = [8], sizes = [1], strides = [1]} : vector<16xi32> to vector<1xi32>
      %squeeze3A_501 = vector.extract %slice3A_500[0] : i32 from vector<1xi32>
      %gt3A_502 = arith.cmpf ogt, %squeeze3A_499, %select_n3A_496 : f32
      %eq3A_503 = arith.cmpf oeq, %squeeze3A_499, %select_n3A_496 : f32
      %lt3A_504 = arith.cmpi slt, %squeeze3A_501, %select_n3A_497 : i32
      %and3A_505 = arith.andi %eq3A_503, %lt3A_504 : i1
      %or3A_506 = arith.ori %gt3A_502, %and3A_505 : i1
      %select_n3A_507 = arith.select %or3A_506, %squeeze3A_499, %select_n3A_496 : f32
      %select_n3A_508 = arith.select %or3A_506, %squeeze3A_501, %select_n3A_497 : i32
      %slice3A_509 = vector.extract_strided_slice %scan3A_400#0 {offsets = [9], sizes = [1], strides = [1]} : vector<16xf32> to vector<1xf32>
      %squeeze3A_510 = vector.extract %slice3A_509[0] : f32 from vector<1xf32>
      %slice3A_511 = vector.extract_strided_slice %add3A_404 {offsets = [9], sizes = [1], strides = [1]} : vector<16xi32> to vector<1xi32>
      %squeeze3A_512 = vector.extract %slice3A_511[0] : i32 from vector<1xi32>
      %gt3A_513 = arith.cmpf ogt, %squeeze3A_510, %select_n3A_507 : f32
      %eq3A_514 = arith.cmpf oeq, %squeeze3A_510, %select_n3A_507 : f32
      %lt3A_515 = arith.cmpi slt, %squeeze3A_512, %select_n3A_508 : i32
      %and3A_516 = arith.andi %eq3A_514, %lt3A_515 : i1
      %or3A_517 = arith.ori %gt3A_513, %and3A_516 : i1
      %select_n3A_518 = arith.select %or3A_517, %squeeze3A_510, %select_n3A_507 : f32
      %select_n3A_519 = arith.select %or3A_517, %squeeze3A_512, %select_n3A_508 : i32
      %slice3A_520 = vector.extract_strided_slice %scan3A_400#0 {offsets = [10], sizes = [1], strides = [1]} : vector<16xf32> to vector<1xf32>
      %squeeze3A_521 = vector.extract %slice3A_520[0] : f32 from vector<1xf32>
      %slice3A_522 = vector.extract_strided_slice %add3A_404 {offsets = [10], sizes = [1], strides = [1]} : vector<16xi32> to vector<1xi32>
      %squeeze3A_523 = vector.extract %slice3A_522[0] : i32 from vector<1xi32>
      %gt3A_524 = arith.cmpf ogt, %squeeze3A_521, %select_n3A_518 : f32
      %eq3A_525 = arith.cmpf oeq, %squeeze3A_521, %select_n3A_518 : f32
      %lt3A_526 = arith.cmpi slt, %squeeze3A_523, %select_n3A_519 : i32
      %and3A_527 = arith.andi %eq3A_525, %lt3A_526 : i1
      %or3A_528 = arith.ori %gt3A_524, %and3A_527 : i1
      %select_n3A_529 = arith.select %or3A_528, %squeeze3A_521, %select_n3A_518 : f32
      %select_n3A_530 = arith.select %or3A_528, %squeeze3A_523, %select_n3A_519 : i32
      %slice3A_531 = vector.extract_strided_slice %scan3A_400#0 {offsets = [11], sizes = [1], strides = [1]} : vector<16xf32> to vector<1xf32>
      %squeeze3A_532 = vector.extract %slice3A_531[0] : f32 from vector<1xf32>
      %slice3A_533 = vector.extract_strided_slice %add3A_404 {offsets = [11], sizes = [1], strides = [1]} : vector<16xi32> to vector<1xi32>
      %squeeze3A_534 = vector.extract %slice3A_533[0] : i32 from vector<1xi32>
      %gt3A_535 = arith.cmpf ogt, %squeeze3A_532, %select_n3A_529 : f32
      %eq3A_536 = arith.cmpf oeq, %squeeze3A_532, %select_n3A_529 : f32
      %lt3A_537 = arith.cmpi slt, %squeeze3A_534, %select_n3A_530 : i32
      %and3A_538 = arith.andi %eq3A_536, %lt3A_537 : i1
      %or3A_539 = arith.ori %gt3A_535, %and3A_538 : i1
      %select_n3A_540 = arith.select %or3A_539, %squeeze3A_532, %select_n3A_529 : f32
      %select_n3A_541 = arith.select %or3A_539, %squeeze3A_534, %select_n3A_530 : i32
      %slice3A_542 = vector.extract_strided_slice %scan3A_400#0 {offsets = [12], sizes = [1], strides = [1]} : vector<16xf32> to vector<1xf32>
      %squeeze3A_543 = vector.extract %slice3A_542[0] : f32 from vector<1xf32>
      %slice3A_544 = vector.extract_strided_slice %add3A_404 {offsets = [12], sizes = [1], strides = [1]} : vector<16xi32> to vector<1xi32>
      %squeeze3A_545 = vector.extract %slice3A_544[0] : i32 from vector<1xi32>
      %gt3A_546 = arith.cmpf ogt, %squeeze3A_543, %select_n3A_540 : f32
      %eq3A_547 = arith.cmpf oeq, %squeeze3A_543, %select_n3A_540 : f32
      %lt3A_548 = arith.cmpi slt, %squeeze3A_545, %select_n3A_541 : i32
      %and3A_549 = arith.andi %eq3A_547, %lt3A_548 : i1
      %or3A_550 = arith.ori %gt3A_546, %and3A_549 : i1
      %select_n3A_551 = arith.select %or3A_550, %squeeze3A_543, %select_n3A_540 : f32
      %select_n3A_552 = arith.select %or3A_550, %squeeze3A_545, %select_n3A_541 : i32
      %slice3A_553 = vector.extract_strided_slice %scan3A_400#0 {offsets = [13], sizes = [1], strides = [1]} : vector<16xf32> to vector<1xf32>
      %squeeze3A_554 = vector.extract %slice3A_553[0] : f32 from vector<1xf32>
      %slice3A_555 = vector.extract_strided_slice %add3A_404 {offsets = [13], sizes = [1], strides = [1]} : vector<16xi32> to vector<1xi32>
      %squeeze3A_556 = vector.extract %slice3A_555[0] : i32 from vector<1xi32>
      %gt3A_557 = arith.cmpf ogt, %squeeze3A_554, %select_n3A_551 : f32
      %eq3A_558 = arith.cmpf oeq, %squeeze3A_554, %select_n3A_551 : f32
      %lt3A_559 = arith.cmpi slt, %squeeze3A_556, %select_n3A_552 : i32
      %and3A_560 = arith.andi %eq3A_558, %lt3A_559 : i1
      %or3A_561 = arith.ori %gt3A_557, %and3A_560 : i1
      %select_n3A_562 = arith.select %or3A_561, %squeeze3A_554, %select_n3A_551 : f32
      %select_n3A_563 = arith.select %or3A_561, %squeeze3A_556, %select_n3A_552 : i32
      %slice3A_564 = vector.extract_strided_slice %scan3A_400#0 {offsets = [14], sizes = [1], strides = [1]} : vector<16xf32> to vector<1xf32>
      %squeeze3A_565 = vector.extract %slice3A_564[0] : f32 from vector<1xf32>
      %slice3A_566 = vector.extract_strided_slice %add3A_404 {offsets = [14], sizes = [1], strides = [1]} : vector<16xi32> to vector<1xi32>
      %squeeze3A_567 = vector.extract %slice3A_566[0] : i32 from vector<1xi32>
      %gt3A_568 = arith.cmpf ogt, %squeeze3A_565, %select_n3A_562 : f32
      %eq3A_569 = arith.cmpf oeq, %squeeze3A_565, %select_n3A_562 : f32
      %lt3A_570 = arith.cmpi slt, %squeeze3A_567, %select_n3A_563 : i32
      %and3A_571 = arith.andi %eq3A_569, %lt3A_570 : i1
      %or3A_572 = arith.ori %gt3A_568, %and3A_571 : i1
      %select_n3A_573 = arith.select %or3A_572, %squeeze3A_565, %select_n3A_562 : f32
      %select_n3A_574 = arith.select %or3A_572, %squeeze3A_567, %select_n3A_563 : i32
      %slice3A_575 = vector.extract_strided_slice %scan3A_400#0 {offsets = [15], sizes = [1], strides = [1]} : vector<16xf32> to vector<1xf32>
      %squeeze3A_576 = vector.extract %slice3A_575[0] : f32 from vector<1xf32>
      %slice3A_577 = vector.extract_strided_slice %add3A_404 {offsets = [15], sizes = [1], strides = [1]} : vector<16xi32> to vector<1xi32>
      %squeeze3A_578 = vector.extract %slice3A_577[0] : i32 from vector<1xi32>
      %gt3A_579 = arith.cmpf ogt, %squeeze3A_576, %select_n3A_573 : f32
      %eq3A_580 = arith.cmpf oeq, %squeeze3A_576, %select_n3A_573 : f32
      %lt3A_581 = arith.cmpi slt, %squeeze3A_578, %select_n3A_574 : i32
      %and3A_582 = arith.andi %eq3A_580, %lt3A_581 : i1
      %or3A_583 = arith.ori %gt3A_579, %and3A_582 : i1
      %select_n3A_584 = arith.select %or3A_583, %squeeze3A_576, %select_n3A_573 : f32
      %select_n3A_585 = arith.select %or3A_583, %squeeze3A_578, %select_n3A_574 : i32
      %jit3A_586 = arith.constant 16 : i32
      %eq3A_587 = arith.constant 0 : i32
      %eq3A_588 = arith.cmpi eq, %jit3A_586, %eq3A_587 : i32
      %jit3A_589 = arith.constant 1 : i32
      %select_n3A_590 = arith.select %eq3A_588, %jit3A_589, %jit3A_586 : i32
      %rem3A_591 = arith.remsi %select_n3A_389, %select_n3A_590 : i32
      %ne3A_592 = arith.constant 0 : i32
      %ne3A_593 = arith.cmpi ne, %rem3A_591, %ne3A_592 : i32
      %lt3A_594 = arith.constant 0 : i32
      %lt3A_595 = arith.cmpi slt, %rem3A_591, %lt3A_594 : i32
      %lt3A_596 = arith.constant 0 : i32
      %lt3A_597 = arith.cmpi slt, %select_n3A_590, %lt3A_596 : i32
      %ne3A_598 = arith.xori %lt3A_595, %lt3A_597 : i1
      %and3A_599 = arith.andi %ne3A_598, %ne3A_593 : i1
      %add3A_600 = arith.addi %rem3A_591, %select_n3A_590 : i32
      %select_n3A_601 = arith.select %and3A_599, %add3A_600, %rem3A_591 : i32
      %jit3A_602 = arith.constant -1 : i32
      %select_n3A_603 = arith.select %eq3A_403, %select_n3A_601, %jit3A_602 : i32
      %broadcast_in_dim3A_604 = vector.broadcast %select_n3A_603 : i32 to vector<16xi32>
      %eq3A_605 = arith.cmpi eq, %iota3A, %broadcast_in_dim3A_604 : vector<16xi32>
      %broadcast_in_dim3A_606 = vector.broadcast %select_n3A_585 : i32 to vector<16xi32>
      %select_n3A_607 = arith.select %eq3A_605, %broadcast_in_dim3A_606, %select_n3A_292 : vector<16xi1>, vector<16xi32>
      %eq3A_608 = arith.constant 15 : i32
      %eq3A_609 = arith.cmpi eq, %select_n3A_601, %eq3A_608 : i32
      %and3A_610 = arith.andi %eq3A_403, %eq3A_609 : i1
      %jit3A_611 = arith.constant 16 : i32
      %div3A_612 = arith.divsi %select_n3A_389, %jit3A_611 : i32
      %sign3A_613 = arith.constant 0 : i32
      %sign3A_614 = arith.cmpi sgt, %select_n3A_389, %sign3A_613 : i32
      %sign3A_615 = arith.extui %sign3A_614 : i1 to i32
      %sign3A_616 = arith.constant 0 : i32
      %sign3A_617 = arith.cmpi slt, %select_n3A_389, %sign3A_616 : i32
      %sign3A_618 = arith.extui %sign3A_617 : i1 to i32
      %sign3A_619 = arith.subi %sign3A_615, %sign3A_618 : i32
      %sign3A_620 = arith.constant 0 : i32
      %sign3A_621 = arith.cmpi sgt, %jit3A_611, %sign3A_620 : i32
      %sign3A_622 = arith.extui %sign3A_621 : i1 to i32
      %sign3A_623 = arith.constant 0 : i32
      %sign3A_624 = arith.cmpi slt, %jit3A_611, %sign3A_623 : i32
      %sign3A_625 = arith.extui %sign3A_624 : i1 to i32
      %sign3A_626 = arith.subi %sign3A_622, %sign3A_625 : i32
      %ne3A_627 = arith.cmpi ne, %sign3A_619, %sign3A_626 : i32
      %rem3A_628 = arith.remsi %select_n3A_389, %jit3A_611 : i32
      %ne3A_629 = arith.constant 0 : i32
      %ne3A_630 = arith.cmpi ne, %rem3A_628, %ne3A_629 : i32
      %and3A_631 = arith.andi %ne3A_627, %ne3A_630 : i1
      %sub3A_632 = arith.constant 1 : i32
      %sub3A_633 = arith.subi %div3A_612, %sub3A_632 : i32
      %select_n3A_634 = arith.select %and3A_631, %sub3A_633, %div3A_612 : i32
      %mul3A_635 = arith.constant 16 : i32
      %mul3A_636 = arith.muli %select_n3A_634, %mul3A_635 : i32
      %get3A_637 = arith.index_cast %mul3A_636 : i32 to index
      %get3A_638 = tpu.vector_load %arg7[%get3A_637] {strides = array<i32>} : memref<32xi32, #tpu.memory_space<vmem>>, vector<16xi32>,
      %get3A_639 = vector.shape_cast %get3A_638 : vector<16xi32> to vector<16xi32>
      %eq3A_640 = arith.cmpi eq, %select_n3A_607, %get3A_639 : vector<16xi32>
      %jit3A_641 = arith.constant 1 : i32
      %jit3A_642 = arith.constant 0 : i32
      %broadcast_in_dim3A_643 = vector.broadcast %jit3A_641 : i32 to vector<16xi32>
      %broadcast_in_dim3A_644 = vector.broadcast %jit3A_642 : i32 to vector<16xi32>
      %select_n3A_645 = arith.select %eq3A_640, %broadcast_in_dim3A_643, %broadcast_in_dim3A_644 : vector<16xi1>, vector<16xi32>
      %add3A_646 = arith.addi %select_n3A_331, %select_n3A_645 : vector<16xi32>
      %select_n3A_647 = arith.select %and3A_610, %add3A_646, %select_n3A_331 : vector<16xi32>
      scf.yield %scan3A_400#0, %scan3A_400#1, %select_n3A_607, %select_n3A_647 : vector<16xf32>, vector<16xi32>, vector<16xi32>, vector<16xi32>
    }
    %scan3A_15 = arith.constant 80 : i32
    %add3A_16 = arith.constant 3180000 : i32
    %add3A_17 = arith.addi %mul3A_2, %add3A_16 : i32
    %dma_wait3A = tpu.memref_slice %arg2[%add3A_17] : memref<102400000xf32, #tpu.memory_space<hbm>> -> memref<20000xf32, #tpu.memory_space<hbm>>
    %dma_wait3A_18 = tpu.memref_slice %arg2[%add3A_17] : memref<102400000xf32, #tpu.memory_space<hbm>> -> memref<20000xf32, #tpu.memory_space<hbm>>
    tpu.wait_dma2 semaphore(%arg9 : memref<!tpu.dma_semaphore, #tpu.memory_space<semaphore_mem>>) src(%dma_wait3A_18 : memref<20000xf32, #tpu.memory_space<hbm>>) dst(%arg5 : memref<20000xf32, #tpu.memory_space<vmem>>)
    %convert_element_type3A = arith.sitofp %scan3A_14#3 : vector<16xi32> to vector<16xf32>
    %mul3A_19 = arith.constant 0.09765625 : f32
    %mul3A_20 = vector.broadcast %mul3A_19 : f32 to vector<16xf32>
    %mul3A_21 = arith.mulf %convert_element_type3A, %mul3A_20 : vector<16xf32>
    %swap3A = arith.constant 0 : index
    %swap3A_22 = tpu.vector_load %arg8[%swap3A] {strides = array<i32>} : memref<16xf32, #tpu.memory_space<vmem>>, vector<16xf32>,
    %swap3A_23 = vector.shape_cast %swap3A_22 : vector<16xf32> to vector<16xf32>
    %swap3A_24 = vector.shape_cast %mul3A_21 : vector<16xf32> to vector<16xf32>
    tpu.vector_store %arg8[%swap3A], %swap3A_24 {strides = array<i32>} : memref<16xf32, #tpu.memory_space<vmem>>, vector<16xf32>,
    %mul3A_25 = arith.constant 16 : i32
    %mul3A_26 = arith.muli %add3A, %mul3A_25 : i32
    "tpu.region"() ({
      %run_scoped3A = tpu.sem_alloc : memref<!tpu.dma_semaphore, #tpu.memory_space<semaphore_mem>>
      %dma_start3A_27 = tpu.memref_slice %arg4[%mul3A_26] : memref<512xf32, #tpu.memory_space<hbm>> -> memref<16xf32, #tpu.memory_space<hbm>>
      %dma_start3A_28 = tpu.memref_slice %arg4[%mul3A_26] : memref<512xf32, #tpu.memory_space<hbm>> -> memref<16xf32, #tpu.memory_space<hbm>>
      tpu.enqueue_dma source(%arg8 : memref<16xf32, #tpu.memory_space<vmem>>) target(%dma_start3A_28 : memref<16xf32, #tpu.memory_space<hbm>>) target_semaphore(%run_scoped3A : memref<!tpu.dma_semaphore, #tpu.memory_space<semaphore_mem>>)
      %dma_wait3A_29 = tpu.memref_slice %arg4[%mul3A_26] : memref<512xf32, #tpu.memory_space<hbm>> -> memref<16xf32, #tpu.memory_space<hbm>>
      %dma_wait3A_30 = tpu.memref_slice %arg4[%mul3A_26] : memref<512xf32, #tpu.memory_space<hbm>> -> memref<16xf32, #tpu.memory_space<hbm>>
      tpu.wait_dma2 semaphore(%run_scoped3A : memref<!tpu.dma_semaphore, #tpu.memory_space<semaphore_mem>>) src(%arg8 : memref<16xf32, #tpu.memory_space<vmem>>) dst(%dma_wait3A_30 : memref<16xf32, #tpu.memory_space<hbm>>)
      tpu.yield
    }) : () -> ()
    return
  }
}

</mosaic_0001>

<sc_bundles>
// kernel: _bbox_top1.3.cloned.1.call-start
scs
__scs_entry_jumppad:
0x0: {  	(pc) =	sbr.rel $0x88, $3  }
0x1: {  	(tag) =	ssettag $0x0;
	lr =	simm.s32 $0x1  }
0x2: {  	[smem:$0x3F9F] =	sst lr;
	_ =	strace $0xD0000000  }
0x3: {  	_ = 	snop  }
0x4: {  	_ = 	snop  }
0x5: {  	_ = 	snop  }
0x6: {  	_ = 	snop  }
0x7: {  	_ = 	snop  }
__scs_overlays_trampoline_lowered:
0x8: {  	[smem:$0x3FAE] =	sst s0  }
0x9: {  	[smem:$0x3FAF] =	sst s1  }
0xa: {  	[smem:$0x3FB0] =	sst s2  }
0xb: {  	[smem:$0x3FB1] =	sst s3  }
0xc: {  	[smem:$0x3FB2] =	sst s4  }
0xd: {  	[smem:$0x3FB3] =	sst s5  }
0xe: {  	[smem:$0x3FB4] =	sst s6  }
0xf: {  	[smem:$0x3FB5] =	sst s7  }
0x10: {  	[smem:$0x3FB6] =	sst s8  }
0x11: {  	[smem:$0x3FB7] =	sst s9;
	s0 =	simm.s32 @!p0 $0x0  }
0x12: {  	s1 =	sld [smem:$0x3F9D];
	s0 =	simm.s32 @p0 $0x1  }
0x13: {  	[smem:$0x3FB8] =	sst s0;
	s0 =	simm.s32 @!p1 $0x0  }
0x14: {  	s2 =	sld [smem:$0x3F9C];
	s0 =	simm.s32 @p1 $0x1  }
0x15: {  	[smem:$0x3FB9] =	sst s0;
	s0 =	simm.s32 @!p2 $0x0  }
0x16: {  	s3 =	sld [smem:$0x3FDB];
	s0 =	simm.s32 @p2 $0x1  }
0x17: {  	s4 =	simm.s32 $0x1BF5;
	[smem:$0x3FBB] =	sst s0  }
0x18: {  	s0 =	sld [smem:$0x3F9E];
	_ =	swait.ge [sflag:s4], $0x0  }
0x19: {  	s7 =	sld [smem:$0x3F9F]  }
0x1a: {  	s8 =	sadd.s32 $0xFFFFE003, lr  }
0x1b: {  	s9 =	sadd.s32 $0xFFFFFEF7, lr;
	s5 =	simm.s32 $0xFFFFFFFF;
	p2 =	slt.u32 s8, $0xFFFFF086  }
0x1c: {  	p1 =	slt.u32 s9, $0xF7A;
	s5 =	simm.s32 @!p2 $0x0  }
0x1d: {  	s5 =	simm.s32 @p1 $0x1;
	p0 =	seq.s32 s7, s2  }
0x1e: {  	s7 =	smul.u32 @!p0 $0xF7A, s2;
	p2 =	seq.s32 @!p0 s5, $0x0  }
0x1f: {  	s9 =	smul.u32 $0xF7A, s1;
	s8 =	simm.s32 @!p0 $0x1BF5;
	p2 =	por !p2, p0  }
0x20: {  	[sflag:s8] =	ssyncset.s32 @!p0 $0xFFFFF086;
	s6 =	sadd.s32 @!p0 s3, s7;
	s7 =	simm.s32 @!p0 $0x108  }
0x21: {  	s3 =	sadd.s32 s3, s9;
	s6 =	sadd.s32 @!p0 $0x88, s6;
	s7 =	simm.s32 @p2 $0x1082  }
0x22: {  	[simem:s7], [sflag:s8] =	dma.local @!p0 [hbm:s6], $0xF7A  }
0x23: {  	s9 =	sor.u32 $0xD0000000, s2;
	s6 =	simm.s32 $0x108;
	_ =	swait.ge @!p0 [sflag:s8], $0x0  }
0x24: {  	s3 =	sadd.s32 $0x88, s3;
	s6 =	simm.s32 @!p1 $0x1082;
	[sflag:s4] =	ssyncset.s32 $0xFFFFF086  }
0x25: {  	[simem:s6], [sflag:s4] =	dma.local [hbm:s3], $0xF7A  }
0x26: {  	[smem:$0x3F9F] =	sst s1;
	(tag) =	ssettag s2;
	_ =	strace s9  }
0x27: {  	s1 =	sld [smem:$0x3FAF]  }
0x28: {  	s2 =	sld [smem:$0x3FB0]  }
0x29: {  	s4 =	sld [smem:$0x3FB2]  }
0x2a: {  	p0 =	seq.s32 s5, $0x0;
	s5 =	sld [smem:$0x3FB3]  }
0x2b: {  	s6 =	sld [smem:$0x3FB4]  }
0x2c: {  	s7 =	sld [smem:$0x3FB5]  }
0x2d: {  	s3 =	simm.s32 $0x108;
	s8 =	sld [smem:$0x3FB6]  }
0x2e: {  	s3 =	simm.s32 @!p0 $0x1082;
	s9 =	sld [smem:$0x3FB7]  }
0x2f: {  	lr =	sadd.s32 s0, s3;
	s0 =	sld [smem:$0x3FAE]  }
0x30: {  	s3 =	sld [smem:$0x3FB1]  }
0x31: {  	[smem:$0x3FBA] =	sst s10  }
0x32: {  	s10 =	sld [smem:$0x3FB8];
	_ =	sdelay $0x3  }
0x33: {  	p0 =	seq.s32 s10, $0x1;
	s10 =	sld [smem:$0x3FBA];
	_ =	sdelay $0x3  }
0x34: {  	[smem:$0x3FBA] =	sst s10  }
0x35: {  	s10 =	sld [smem:$0x3FB9];
	_ =	sdelay $0x3  }
0x36: {  	p1 =	seq.s32 s10, $0x1;
	s10 =	sld [smem:$0x3FBA];
	_ =	sdelay $0x3  }
0x37: {  	[smem:$0x3FBA] =	sst s10  }
0x38: {  	s10 =	sld [smem:$0x3FBB]  }
0x39: {  	_ = 	snop;
	(pc) =	sbr.ind lr, $3  }
0x3a: {  	_ = 	snop  }
0x3b: {  	_ = 	snop  }
0x3c: {  	p2 =	seq.s32 s10, $0x1;
	s10 =	sld [smem:$0x3FBA]  }
0x3d: {  	_ =	shalt  }
0x3e: {  	_ =	shalt  }
0x3f: {  	_ =	shalt  }
0x40: {  	_ =	shalt  }
0x41: {  	_ =	shalt  }
0x42: {  	_ =	shalt  }
0x43: {  	_ =	shalt  }
0x44: {  	_ =	shalt  }
0x45: {  	_ =	shalt  }
0x46: {  	_ =	shalt  }
0x47: {  	_ =	shalt  }
0x48: {  	_ =	shalt  }
0x49: {  	_ =	shalt  }
0x4a: {  	_ =	shalt  }
0x4b: {  	_ =	shalt  }
0x4c: {  	_ =	shalt  }
0x4d: {  	_ =	shalt  }
0x4e: {  	_ =	shalt  }
0x4f: {  	_ =	shalt  }
0x50: {  	_ =	shalt  }
0x51: {  	_ =	shalt  }
0x52: {  	_ =	shalt  }
0x53: {  	_ =	shalt  }
0x54: {  	_ =	shalt  }
0x55: {  	_ =	shalt  }
0x56: {  	_ =	shalt  }
0x57: {  	_ =	shalt  }
0x58: {  	_ =	shalt  }
0x59: {  	_ =	shalt  }
0x5a: {  	_ =	shalt  }
0x5b: {  	_ =	shalt  }
0x5c: {  	_ =	shalt  }
0x5d: {  	_ =	shalt  }
0x5e: {  	_ =	shalt  }
0x5f: {  	_ =	shalt  }
0x60: {  	_ =	shalt  }
0x61: {  	_ =	shalt  }
0x62: {  	_ =	shalt  }
0x63: {  	_ =	shalt  }
0x64: {  	_ =	shalt  }
0x65: {  	_ =	shalt  }
0x66: {  	_ =	shalt  }
0x67: {  	_ =	shalt  }
0x68: {  	_ =	shalt  }
0x69: {  	_ =	shalt  }
0x6a: {  	_ =	shalt  }
0x6b: {  	_ =	shalt  }
0x6c: {  	_ =	shalt  }
0x6d: {  	_ =	shalt  }
0x6e: {  	_ =	shalt  }
0x6f: {  	_ =	shalt  }
0x70: {  	_ =	shalt  }
0x71: {  	_ =	shalt  }
0x72: {  	_ =	shalt  }
0x73: {  	_ =	shalt  }
0x74: {  	_ =	shalt  }
0x75: {  	_ =	shalt  }
0x76: {  	_ =	shalt  }
0x77: {  	_ =	shalt  }
0x78: {  	_ =	shalt  }
0x79: {  	_ =	shalt  }
0x7a: {  	_ =	shalt  }
0x7b: {  	_ =	shalt  }
0x7c: {  	_ =	shalt  }
0x7d: {  	_ =	shalt  }
0x7e: {  	_ =	shalt  }
0x7f: {  	_ =	shalt  }
0x80: {  	_ =	shalt  }
0x81: {  	_ =	shalt  }
0x82: {  	_ =	shalt  }
0x83: {  	_ =	shalt  }
0x84: {  	_ =	shalt  }
0x85: {  	_ =	shalt  }
0x86: {  	_ =	shalt  }
0x87: {  	_ =	shalt  }
.Lfunc_end0:
.L_simem_size_0:
called_computation_lowered:
.L_overlay_start_0:
0x88: {  	s2 =	sld [smem:$0x3FD9]  }
0x89: {  	s3 =	sld [smem:$0x3FFE];
	_ =	sdelay $0x1  }
0x8a: {  	s1 =	srdreg.scid  }
0x8b: {  	s0 =	sand.u32 $0x1, s1  }
0x8c: {  	s17 =	sshll.u32 s0, $0xA;
	s2 =	sadd.s32 s3, s2  }
0x8d: {  	s2 =	sadd.s32 s2, s17  }
0x8e: {  	[smem:$0x3FC6] =	sst s2  }
0x8f: {  	_ = 	snop  }
0x90: {  	s2 =	sld [smem:$0x3FC9]  }
0x91: {  	s18 =	sld [smem:$0x3FC8];
	(tm) =	ssettm $0x1  }
0x92: {  	s4 =	sld [smem:$0x3FFB];
	_ =	sdelay $0x3  }
0x93: {  	_ =	strace s4  }
0x94: {  	s4 =	sld [smem:$0x3FFC];
	_ =	sdelay $0x3  }
0x95: {  	_ =	strace s4  }
0x96: {  	s4 =	sld [smem:$0x3FFD];
	_ =	sdelay $0x3  }
0x97: {  	_ =	strace s4  }
0x98: {  	_ =	strace $0x8FFFFFFF  }
0x99: {  	s19 =	sld [smem:$0x3FDB];
	_ =	sdelay $0x1  }
0x9a: {  	s5 =	simm.s32 $_scs_section_size  }
0x9b: {  	s6 =	simm.s32 $_size__tile_overlayer_lowered;
	s7 =	simm.s32 $_tile_overlayer_lowered  }
0x9c: {  	s22 =	simm.s32 $0x1BFF;
	s21 =	sshll.u32 s7, $0x1;
	s4 =	sadd.s32 s5, s19  }
0x9d: {  	s8 =	simm.s32 $0x0;
	s20 =	sshll.u32 s6, $0x1;
	s6 =	sadd.s32 s21, s4  }
0x9e: {  	[timem:s8], [sflag:s22] =	dma.local [hbm:s6], s20  }
0x9f: {  	_ =	swait.ge [sflag:s22], s20  }
0xa0: {  	s5 =	ssub.s32 $0x0, s20;
	[sflag:s22] =	ssyncset.done $0x0  }
0xa1: {  	[sflag:s22] =	ssyncadd.s32 s5;
	_ =	sdelay $0x1  }
0xa2: {  	s23 =	simm.s32 $0x1B8B  }
0xa3: {  	_ =	swait.ge [sflag:s23], $0x1  }
0xa4: {  	[sflag:s23] =	ssyncset.done $0x0  }
0xa5: {  	s25 =	simm.s32 $0x1B8E;
	s24 =	sld [smem:$0x3FFE];
	[sflag:s23] =	ssyncadd.s32 $0xFFFFFFFF  }
0xa6: {  	s26 =	simm.s32 $execute0_lowered;
	[smem:$0x3FD2] =	sst s25  }
0xa7: {  	s6 =	sshll.u32 s26, $0x1;
	_ =	strace $0x80000046;
	[dreg:$0x1] =	wrdreg $0xFFFFFFFF  }
0xa8: {  	s28 =	simm.s32 $_size_execute0_lowered;
	s4 =	sadd.s32 s4, s6;
	[dreg:$0x0] =	wrdreg $0x0  }
0xa9: {  	s6 =	sshll.u32 s28, $0x1;
	[dreg:$0x2] =	wrdreg s4  }
0xaa: {  	[dreg:$0x3] =	wrdreg s6  }
0xab: {  	[dreg:$0x4] =	wrdreg $0xC0  }
0xac: {  	_ =	task [dreg:s8], $0x5FFFF  }
0xad: {  	[dreg:$0x1] =	wrdreg $0xFFFFFFFF  }
0xae: {  	[dreg:$0x0] =	wrdreg $0x60  }
0xaf: {  	[dreg:$0x2] =	wrdreg s2  }
0xb0: {  	[dreg:$0x3] =	wrdreg s18  }
0xb1: {  	[dreg:$0x4] =	wrdreg s24  }
0xb2: {  	[dreg:$0x5] =	wrdreg $0x9  }
0xb3: {  	_ =	task.clear_ibuf [dreg:s8], $0x6FFFF;
	_ =	strace $0x90000046  }
0xb4: {  	s29 =	simm.s32 $0x9;
	_ =	strace $0x80000048  }
0xb5: {  	_ =	swait.ge [sflag:s29], $0x1  }
0xb6: {  	[sflag:s29] =	ssyncadd.s32 $0xFFFFFFFF  }
0xb7: {  	_ =	strace $0x90000048  }
0xb8: {  	_ =	sfence  }
0xb9: {  	s30 =	sld [smem:$0x0];
	_ =	sdelay $0x2  }
0xba: {  	s31 =	sshll.u32 s1, $0xD;
	s1 =	sshrl.u32 s1, $0x2  }
0xbb: {  	s3 =	sand.u32 $0x4000, s31;
	s1 =	sadd.s32 s1, s30  }
0xbc: {  	s0 =	sor.u32 s3, s0;
	s1 =	sshll.u32 s1, $0x11  }
0xbd: {  	s0 =	sor.u32 s1, s0  }
0xbe: {  	s0 =	sadd.s32 $0x8F2B, s0  }
0xbf: {  	[sflag:s0] =	ssyncadd.remote.s32 $0x1  }
0xc0: {  	_ =	sfence.sel $0xFFFF  }
0xc1: {  	[dreg:$0x0] =	wrdreg $0xFFFFFFFF;
	(pc) =	sbr.abs _section_cstart, $3  }
0xc2: {  	[dreg:$0x1] =	wrdreg $0xFFFFFFFF  }
0xc3: {  	_ =	task.clear_ibuf [dreg:s8], $0x2FFFF;
	_ =	strace $0x9FFFFFFF  }
0xc4: {  	(tm) =	ssettm $0x7FFFFFFF  }
0xc5: {  	_ =	shalt  }
tec
execute0_lowered:
.L_overlay_start_1:
0x0: {  	(tag) =	ssettag $0x1  }
0x1: {  	s10 =	rddreg [dreg:$0x0]  }
0x2: {  	s1 =	srdreg.scid;
	s3 =	stileid.u32  }
0x3: {  	s0 =	rddreg [dreg:$0x1];
	s1 =	sand.u32 $0x1, s1;
	s3 =	sshll.u32 s3, $0x1  }
0x4: {  	s2 =	rddreg [dreg:$0x2];
	s6 =	simm.s32 $0x0;
	s3 =	sor.u32 s1, s3  }
0x5: {  	[smem:$0x7FF] =	sst s6;
	s5 =	sshll.u32 s3, $0x2  }
0x6: {  	s1 =	ssub.s32 $0x2, s1;
	s7 =	smul.u32 $0x30D400, s3;
	s0 =	sadd.s32 s0, s5  }
0x7: {  	_ =	strace $0x80000047;
	s4 =	sshrl.u32 s1, $0x1;
	[dreg:$0x5] =	wrdreg s0  }
0x8: {  	s1 =	ssub.s32 s1, s4;
	[dreg:$0x4] =	wrdreg s7;
	s29 =	sadd.s32 $0x9C40, s7  }
0x9: {  	s28 =	sshrl.u32 s7, $0x3;
	s31 =	smax.u32 s1, $0x1;
	[dreg:$0x7] =	wrdreg s29  }
0xa: {  	s30 =	sshll.u32 s3, $0x1;
	s0 =	sadd.s32 s10, s28;
	[dreg:$0x9] =	wrdreg s31  }
0xb: {  	[dreg:$0x6] =	wrdreg s0;
	s0 =	sadd.s32 s2, s30  }
0xc: {  	v0 =	vlaneseq.u32;
	vm0 =	vmxor vm0, vm0;
	v1 =	vimm.s32 $0x0;
	s1 =	simm.s32 $0x0;
	s2 =	simm.s32 $0x3;
	[dreg:$0x8] =	wrdreg s0  }
.LBB2_1:
0xd: {  	[dreg:$0xa] =	wrdreg s1  }
0xe: {  	s0 =	rddreg [dreg:$0x5];
	s30 =	simm.s32 $0x9D00  }
0xf: {  	[tilespmem:s30], [sflag:$0x3] =	stream.linear.gather [hbm4b:s0+s6], $0x20, $0x38;
	[tilespmem:$0x9E00] =	vst v63  }
0x10: {  	_ =	swait.ge [sflag:s2], $0x20  }
0x11: {  	[sflag:s2] =	ssyncset.done $0x0  }
0x12: {  	s4 =	simm.s32 $0x1;
	s31 =	rddreg [dreg:$0x6];
	[sflag:s2] =	ssyncadd.s32 $0xFFFFFFE0  }
0x13: {  	v5 =	vimm.f32 $-Inf;
	[tilespmem:s6], [sflag:$0x1] =	stream.linear.gather [hbm4b:s31+s6], $0x4E20, $0x38;
	[tilespmem:$0x9E00] =	vst v63  }
0x14: {  	s5 =	simm.s32 $0x0;
	s8 =	simm.s32 $0x0;
	v2 =	vimm.s32 $0x0;
	v3 =	vimm.s32 $0x0;
	v6 =	vimm.s32 $0x0;
	s6 =	simm.s32 $0x0  }
.LBB2_2:
0x15: {  	s11 =	sshllo.u32 s6, $0x1  }
0x16: {  	s0 =	smul.u32 $0x4E20, s11  }
0x17: {  	s1 =	rddreg [dreg:$0x4]  }
0x18: {  	s0 =	sadd.s32 s1, s0  }
0x19: {  	s25 =	simm.s32 $0x0;
	s2 =	smul.u32 $0x19A, s6;
	s0 =	sshrl.u32 s0, $0x3  }
0x1a: {  	s3 =	simm.s32 $0x4E80;
	s26 =	simm.s32 $0x1;
	s0 =	sadd.s32 s10, s0  }
0x1b: {  	[tilespmem:s3], [sflag:$0x2] =	stream.linear.gather [hbm4b:s0+s25], $0x4E20, $0x38;
	[tilespmem:$0x9E00] =	vst v63  }
0x1c: {  	s28 =	sshrl.u32 s2, $0xA;
	_ =	swait.ge [sflag:s26], $0x4E20  }
0x1d: {  	s3 =	sand.u32 $0x3F, s28;
	[sflag:s26] =	ssyncset.done $0x0  }
0x1e: {  	s29 =	simm.s32 $0x20;
	s0 =	smul.u32 $0x5, s3;
	[sflag:s26] =	ssyncadd.s32 $0xFFFFB1E0  }
0x1f: {  	s1 =	sshll.u32 s6, $0x1;
	v4 =	vld [tilespmem:s29+$0xFFFFFFE0]  }
0x20: {  	s0 =	ssub.s32 s1, s0;
	v7 =	vld [tilespmem:s29+$0xFFFFFFF0]  }
0x21: {  	s30 =	smulhi.u32 $0xCCCCCCCD, s5;
	s0 =	sand.u32 $0xFF, s0;
	v8 =	vld [tilespmem:s29+$0x0]  }
0x22: {  	v9 =	vld [tilespmem:s29+$0x10];
	p0 =	seq.s32 s0, $0x0  }
0x23: {  	s7 =	simm.s32 $0x70;
	[dreg:$0xf] =	wrdreg s0;
	s0 =	sshrl.u32 s30, $0x2;
	v10 =	vpsel p0, $0xFF800000, v5;
	v5 =	vld [tilespmem:s29+$0x20]  }
0x24: {  	v11 =	vld [tilespmem:s7+$0xFFFFFFE0];
	v6 =	vpsel p0, $0x0, v6;
	s0 =	smul.u32 $0x186A0, s0;
	v4 =	vmax.f32 v10, v4  }
0x25: {  	v12 =	vld [tilespmem:s7+$0xFFFFFFF0];
	v7 =	vmax.f32 v4, v7;
	vm6 =	vgt.f32 v4, v10;
	vm9 =	vlt.f32 v4, v10  }
0x26: {  	s31 =	smulhi.u32 $0xCCCCCCCD, s4;
	v13 =	vld [tilespmem:s7+$0x0];
	s0 =	ssub.s32 s8, s0;
	v8 =	vmax.f32 v7, v8;
	vm10 =	vlt.f32 v7, v4;
	vm11 =	vgt.f32 v7, v4  }
0x27: {  	[dreg:$0xc] =	wrdreg s5;
	v14 =	vld [tilespmem:s7+$0x10];
	s5 =	sadd.s32 $0x0, s0;
	vm6 =	vmor vm6, vm9;
	v9 =	vmax.f32 v8, v9;
	vm7 =	vlt.f32 v8, v7  }
0x28: {  	s2 =	sshrl.u32 s31, $0x2;
	vm8 =	vgt.f32 v8, v7;
	v4 =	vsel vm6, s5, v6;
	v6 =	vld [tilespmem:s7+$0x20];
	v5 =	vmax.f32 v9, v5  }
0x29: {  	s2 =	smul.u32 $0x186A0, s2;
	vm6 =	vmor vm11, vm10;
	vm4 =	vgt.f32 v9, v8;
	v7 =	vmax.f32 v5, v11  }
0x2a: {  	[dreg:$0xb] =	wrdreg s4;
	s9 =	sadd.s32 $0x10, s5;
	vm5 =	vlt.f32 v9, v8;
	vm1 =	vgt.f32 v5, v9;
	v8 =	vmax.f32 v7, v12  }
0x2b: {  	s2 =	ssub.s32 s8, s2;
	[dreg:$0xd] =	wrdreg s8;
	s4 =	simm.s32 $0x50;
	vm3 =	vlt.f32 v5, v9;
	v11 =	vsel vm6, s9, v4;
	v9 =	vmax.f32 v8, v13  }
0x2c: {  	s8 =	simm.s32 $0xA0;
	s7 =	simm.s32 $0xC0;
	s9 =	sadd.s32 $0x20, s5;
	vm6 =	vmor vm8, vm7;
	vm2 =	vgt.f32 v7, v5;
	v10 =	vmax.f32 v9, v14  }
.LBB2_3:
0x2d: {  	v4 =	vld [tilespmem:s7+$0xFFFFFFE0];
	p0 =	sne.s32 s8, $0x4DD0;
	v12 =	vmax.f32 v10, v6;
	v6 =	vsel vm6, s9, v11;
	s9 =	sadd.s32 $0x30, s5;
	vm4 =	vmor vm4, vm5  }
0x2e: {  	s5 =	sadd.s32 $0x40, s5;
	vm5 =	vmor vm1, vm3;
	v11 =	vld [tilespmem:s7+$0xFFFFFFF0];
	v6 =	vsel vm4, s9, v6;
	vm1 =	vgt.f32 v12, v10  }
0x2f: {  	vm4 =	vgt.f32 v10, v9;
	vm3 =	vlt.f32 v12, v10;
	v13 =	vld [tilespmem:s7+$0x0];
	v14 =	vsel vm5, s5, v6  }
0x30: {  	vm6 =	vlt.f32 v9, v8;
	vm7 =	vgt.f32 v9, v8;
	vm5 =	vlt.f32 v10, v9;
	v15 =	vld [tilespmem:s7+$0x10]  }
.Ltmp0:
0x31: {  	vm8 =	vlt.f32 v7, v5;
	vm9 =	vlt.f32 v8, v7;
	vm10 =	vgt.f32 v8, v7;
	v5 =	vmovc v12;
	v6 =	vld [tilespmem:s7+$0x20];
	(pc) =	sbr.rel @p0 .LBB2_3-.Ltmp0, $4  }
0x32: {  	v7 =	vmax.f32 v12, v4  }
0x33: {  	vm8 =	vmor vm2, vm8;
	s5 =	sadd.s32 s4, s0;
	s4 =	smov.u32 s8;
	v8 =	vmax.f32 v7, v11;
	vm2 =	vgt.f32 v7, v12  }
0x34: {  	s9 =	sadd.s32 $0x10, s5;
	v4 =	vsel vm8, s5, v14;
	vm8 =	vmor vm10, vm9;
	v9 =	vmax.f32 v8, v13  }
0x35: {  	vm6 =	vmor vm7, vm6;
	s8 =	sadd.s32 $0x50, s8;
	s7 =	sadd.s32 $0x50, s7;
	v11 =	vsel vm8, s9, v4;
	s9 =	sadd.s32 $0x20, s5;
	v10 =	vmax.f32 v9, v15  }
0x36: {  	s3 =	sand.u32 $0xF, s3  }
0x37: {  	p1 =	slt.u32 s6, $0x3;
	s15 =	smulhi.u32 $0xCCCCCCCD, s6;
	p0 =	sne.s32 s3, $0x0  }
0x38: {  	s7 =	simm.s32 $0x1;
	s1 =	smin.u32 s1, $0x9D;
	p0 =	por !p1, !p0  }
0x39: {  	s16 =	rddreg [dreg:$0x7];
	s1 =	smul.u32 $0x4E20, s1;
	p0 =	por !p0, !p0  }
0x3a: {  	[dreg:$0x10] =	wrdreg s3;
	s3 =	sshrl.u32 s15, $0x5;
	s7 =	simm.s32 @!p0 $0x0  }
0x3b: {  	[dreg:$0x11] =	wrdreg s3;
	s1 =	sadd.s32 s1, s16;
	s3 =	ssub.s32 s3, s7  }
0x3c: {  	s17 =	simm.s32 $0x0;
	s1 =	sshrl.u32 s1, $0x3;
	s3 =	sshll.u32 s3, $0x6  }
0x3d: {  	s18 =	simm.s32 $0x2;
	s1 =	sadd.s32 s10, s1;
	s3 =	sshra.s32 s3, $0x2  }
0x3e: {  	v4 =	vld [tilespmem:s3+$0x9D00];
	[tilespmem:s17], [sflag:$0x1] =	stream.linear.gather [hbm4b:s1+s17], $0x4E20, $0x38  }
0x3f: {  	s19 =	smulhi.u32 $0x66666667, s11;
	_ =	swait.ge [sflag:s18], $0x4E20  }
0x40: {  	v6 =	vmax.f32 v10, v6;
	v11 =	vsel vm6, s9, v11;
	vm5 =	vmor vm4, vm5;
	[sflag:s18] =	ssyncset.done $0x0  }
0x41: {  	s22 =	simm.s32 $0x4EA0;
	vm1 =	vmor vm1, vm3;
	vm3 =	vgt.f32 v10, v9;
	vm6 =	vgt.f32 v9, v8;
	s21 =	sshrl.u32 s19, $0x1;
	[sflag:s18] =	ssyncadd.s32 $0xFFFFB1E0  }
0x42: {  	s20 =	sadd.s32 $0x30, s5;
	vm7 =	vlt.f32 v10, v9;
	vm8 =	vlt.f32 v7, v5;
	vm9 =	vlt.f32 v8, v7;
	s23 =	smul.u32 $0x5, s21;
	v12 =	vld [tilespmem:s22+$0xFFFFFFE0]  }
0x43: {  	s24 =	sadd.s32 $0x40, s5;
	vm10 =	vgt.f32 v8, v7;
	vm4 =	vgt.f32 v6, v10;
	v11 =	vsel vm5, s20, v11;
	v13 =	vld [tilespmem:s22+$0xFFFFFFF0]  }
0x44: {  	s0 =	sadd.s32 s4, s0;
	vm5 =	vlt.f32 v6, v10;
	vm2 =	vmor vm2, vm8;
	v11 =	vsel vm1, s24, v11;
	s3 =	ssub.s32 s11, s23;
	v14 =	vld [tilespmem:s22+$0x0]  }
0x45: {  	s25 =	sadd.s32 $0x10, s0;
	vm1 =	vlt.f32 v9, v8;
	v9 =	vsel vm2, s0, v11;
	vm2 =	vmor vm10, vm9;
	p6 =	seq.s32 s3, $0x0;
	v5 =	vld [tilespmem:s22+$0x10]  }
0x46: {  	s26 =	sadd.s32 $0x20, s0;
	vm1 =	vmor vm6, vm1;
	v9 =	vsel vm2, s25, v9;
	v8 =	vpsel p6, $0xFF800000, v6  }
0x47: {  	s28 =	sadd.s32 $0x30, s0;
	v9 =	vsel vm1, s26, v9;
	vm1 =	vmor vm3, vm7;
	v7 =	vld [tilespmem:s22+$0x20];
	v10 =	vmax.f32 v8, v12  }
0x48: {  	s29 =	simm.s32 $0x4EF0;
	v9 =	vsel vm1, s28, v9;
	v11 =	vmax.f32 v10, v13  }
0x49: {  	s0 =	sadd.s32 $0x40, s0;
	vm1 =	vmor vm4, vm5;
	vm6 =	vgt.f32 v10, v8;
	v12 =	vmax.f32 v11, v14;
	v14 =	vld [tilespmem:s29+$0xFFFFFFE0]  }
0x4a: {  	vm14 =	vlt.f32 v10, v8;
	v13 =	vmax.f32 v12, v5;
	v5 =	vsel vm1, s0, v9;
	v9 =	vld [tilespmem:s29+$0xFFFFFFF0]  }
0x4b: {  	v16 =	vld [tilespmem:s29+$0x0];
	vm15 =	vlt.f32 v11, v10;
	vm11 =	vgt.f32 v11, v10;
	vm6 =	vmor vm6, vm14  }
0x4c: {  	v17 =	vld [tilespmem:s29+$0x10];
	vm7 =	vlt.f32 v12, v11;
	vm8 =	vgt.f32 v12, v11;
	v7 =	vmax.f32 v13, v7  }
0x4d: {  	s1 =	sadd.s32 $0x0, s2;
	v15 =	vpsel p6, $0x0, v5;
	vm4 =	vgt.f32 v13, v12;
	vm5 =	vlt.f32 v13, v12;
	v12 =	vld [tilespmem:s29+$0x20]  }
0x4e: {  	[dreg:$0x12] =	wrdreg s21;
	s30 =	sadd.s32 $0x4E20, s1;
	vm2 =	vgt.f32 v7, v13;
	vm3 =	vlt.f32 v7, v13;
	v8 =	vmax.f32 v7, v14  }
0x4f: {  	[dreg:$0xe] =	wrdreg s11;
	s31 =	sadd.s32 $0x4E30, s1;
	v13 =	vsel vm6, s30, v15;
	vm6 =	vmor vm11, vm15;
	v9 =	vmax.f32 v8, v9  }
0x50: {  	s4 =	simm.s32 $0xA0;
	[dreg:$0x13] =	wrdreg s3;
	v13 =	vsel vm6, s31, v13;
	v10 =	vmax.f32 v9, v16  }
0x51: {  	s3 =	simm.s32 $0x4F40;
	s5 =	sadd.s32 $0x4E40, s1;
	s0 =	simm.s32 $0x50;
	vm6 =	vmor vm8, vm7;
	vm1 =	vgt.f32 v8, v7;
	v11 =	vmax.f32 v10, v17  }
.LBB2_5:
0x52: {  	v14 =	vld [tilespmem:s3+$0xFFFFFFE0];
	p0 =	sne.s32 s4, $0x4DD0;
	v15 =	vmax.f32 v11, v12;
	v12 =	vsel vm6, s5, v13;
	s5 =	sadd.s32 $0x4E50, s1;
	vm4 =	vmor vm4, vm5  }
0x53: {  	s1 =	sadd.s32 $0x4E60, s1;
	vm5 =	vmor vm2, vm3;
	v13 =	vld [tilespmem:s3+$0xFFFFFFF0];
	v12 =	vsel vm4, s5, v12;
	vm2 =	vgt.f32 v15, v11  }
0x54: {  	vm4 =	vgt.f32 v11, v10;
	vm3 =	vlt.f32 v15, v11;
	v16 =	vld [tilespmem:s3+$0x0];
	v17 =	vsel vm5, s1, v12  }
0x55: {  	vm6 =	vlt.f32 v10, v9;
	vm7 =	vgt.f32 v10, v9;
	vm5 =	vlt.f32 v11, v10;
	v18 =	vld [tilespmem:s3+$0x10]  }
.Ltmp1:
0x56: {  	vm8 =	vlt.f32 v8, v7;
	vm9 =	vlt.f32 v9, v8;
	vm10 =	vgt.f32 v9, v8;
	v7 =	vmovc v15;
	v12 =	vld [tilespmem:s3+$0x20];
	(pc) =	sbr.rel @p0 .LBB2_5-.Ltmp1, $4  }
0x57: {  	s1 =	sadd.s32 s0, s2;
	s0 =	smov.u32 s4;
	v8 =	vmax.f32 v15, v14  }
0x58: {  	vm8 =	vmor vm1, vm8;
	s5 =	sadd.s32 $0x4E20, s1;
	v9 =	vmax.f32 v8, v13;
	vm1 =	vgt.f32 v8, v15  }
0x59: {  	v13 =	vsel vm8, s5, v17;
	s5 =	sadd.s32 $0x4E30, s1;
	vm8 =	vmor vm10, vm9;
	v10 =	vmax.f32 v9, v16  }
0x5a: {  	vm6 =	vmor vm7, vm6;
	s4 =	sadd.s32 $0x50, s4;
	s3 =	sadd.s32 $0x50, s3;
	v13 =	vsel vm8, s5, v13;
	s5 =	sadd.s32 $0x4E40, s1;
	v11 =	vmax.f32 v10, v18  }
0x5b: {  	v14 =	vadd.s32 v0, v5;
	(v2sf) =	vpush v6, $0x0  }
0x5c: {  	(v2sf) =	vpush v14, $0x0  }
0x5d: {  	(v2sf) =	vpush v6, $0x1  }
0x5e: {  	(v2sf) =	vpush v14, $0x1  }
0x5f: {  	(v2sf) =	vpush v6, $0x2  }
0x60: {  	(v2sf) =	vpush v14, $0x2  }
0x61: {  	(v2sf) =	vpush v6, $0x3  }
0x62: {  	(v2sf) =	vpush v14, $0x3  }
0x63: {  	(v2sf) =	vpush v6, $0x4  }
0x64: {  	(v2sf) =	vpush v14, $0x4  }
0x65: {  	(v2sf) =	vpush v6, $0x5  }
0x66: {  	(v2sf) =	vpush v14, $0x5  }
0x67: {  	(v2sf) =	vpush v6, $0x6  }
0x68: {  	(v2sf) =	vpush v14, $0x6  }
0x69: {  	(v2sf) =	vpush v6, $0x7  }
0x6a: {  	s29 =	spop (v2sf);
	(v2sf) =	vpush v14, $0x7  }
0x6b: {  	s28 =	spop (v2sf);
	(v2sf) =	vpush v6, $0x8  }
0x6c: {  	s30 =	spop (v2sf);
	(v2sf) =	vpush v14, $0x8  }
0x6d: {  	s31 =	spop (v2sf);
	(v2sf) =	vpush v6, $0x9  }
0x6e: {  	v5 =	vmax.f32 v11, v12;
	v63 =	vsel vm6, s5, v13;
	s10 =	spop (v2sf);
	(v2sf) =	vpush v14, $0x9  }
0x6f: {  	vm5 =	vmor vm4, vm5;
	vm13 =	vmor vm2, vm3;
	s20 =	spop (v2sf);
	(v2sf) =	vpush v6, $0xA  }
0x70: {  	vm3 =	vgt.f32 v11, v10;
	vm14 =	vlt.f32 v10, v9;
	s23 =	spop (v2sf);
	(v2sf) =	vpush v14, $0xA  }
0x71: {  	vm15 =	vgt.f32 v10, v9;
	vm7 =	vlt.f32 v11, v10;
	s19 =	spop (v2sf);
	(v2sf) =	vpush v6, $0xB  }
0x72: {  	vm8 =	vlt.f32 v8, v7;
	vm9 =	vlt.f32 v9, v8;
	s17 =	spop (v2sf);
	(v2sf) =	vpush v14, $0xB  }
0x73: {  	s3 =	sadd.s32 $0x4E50, s1;
	vm10 =	vgt.f32 v9, v8;
	vm12 =	vgt.f32 v5, v11;
	s18 =	spop (v2sf);
	(v2sf) =	vpush v6, $0xC  }
0x74: {  	s13 =	sadd.s32 $0x4E60, s1;
	s0 =	sadd.s32 s0, s2;
	v12 =	vsel vm5, s3, v63;
	vm2 =	vlt.f32 v5, v11;
	s26 =	spop (v2sf);
	(v2sf) =	vpush v14, $0xC  }
0x75: {  	s14 =	sadd.s32 $0x4E20, s0;
	vm1 =	vmor vm1, vm8;
	v12 =	vsel vm13, s13, v12;
	s21 =	spop (v2sf);
	(v2sf) =	vpush v6, $0xD  }
0x76: {  	s15 =	sadd.s32 $0x4E30, s0;
	v7 =	vsel vm1, s14, v12;
	vm1 =	vmor vm10, vm9;
	s24 =	spop (v2sf);
	(v2sf) =	vpush v14, $0xD  }
0x77: {  	s16 =	sadd.s32 $0x4E40, s0;
	v7 =	vsel vm1, s15, v7;
	vm1 =	vmor vm15, vm14;
	s25 =	spop (v2sf);
	(v2sf) =	vpush v6, $0xE  }
0x78: {  	s22 =	sadd.s32 $0x4E50, s0;
	v7 =	vsel vm1, s16, v7;
	vm1 =	vmor vm3, vm7;
	s13 =	spop (v2sf);
	(v2sf) =	vpush v14, $0xE  }
0x79: {  	s0 =	sadd.s32 $0x4E60, s0;
	v7 =	vsel vm1, s22, v7;
	vm1 =	vmor vm12, vm2;
	s22 =	spop (v2sf);
	(v2sf) =	vpush v6, $0xF  }
0x7a: {  	v6 =	vsel vm1, s0, v7;
	s7 =	spop (v2sf);
	(v2sf) =	vpush v14, $0xF  }
0x7b: {  	p0 =	seq.f32 s29, $-Inf;
	v7 =	vadd.s32 v0, v6;
	s14 =	spop (v2sf);
	(v2sf) =	vpush v5, $0x0  }
0x7c: {  	p1 =	sne.s32 s28, $0x7FFFFFFF;
	s1 =	spop (v2sf);
	(v2sf) =	vpush v7, $0x0  }
0x7d: {  	p2 =	sgt.f32 s29, $-Inf;
	p0 =	por !p0, !p1;
	s4 =	spop (v2sf)  }
0x7e: {  	p0 =	por !p0, !p0;
	s16 =	spop (v2sf)  }
0x7f: {  	p0 =	por p2, p0;
	s12 =	spop (v2sf)  }
0x80: {  	s29 =	simm.s32 @!p0 $0xFF800000;
	(v2sf) =	vpush v5, $0x1;
	s3 =	spop (v2sf)  }
0x81: {  	s28 =	simm.s32 @!p0 $0x7FFFFFFF;
	p1 =	seq.f32 s30, s29;
	(v2sf) =	vpush v7, $0x1;
	s11 =	spop (v2sf)  }
0x82: {  	p2 =	slt.s32 s31, s28;
	s8 =	spop (v2sf)  }
0x83: {  	p3 =	sgt.f32 s30, s29;
	p0 =	por !p1, !p2;
	s9 =	spop (v2sf)  }
0x84: {  	p0 =	por !p0, !p0;
	s5 =	spop (v2sf)  }
0x85: {  	p0 =	por p3, p0;
	s0 =	spop (v2sf)  }
0x86: {  	s29 =	smov.u32 @p0 s30;
	s15 =	spop (v2sf)  }
0x87: {  	p4 =	seq.f32 s10, s29;
	s2 =	spop (v2sf)  }
0x88: {  	s28 =	smov.u32 @p0 s31;
	p3 =	sgt.f32 s10, s29;
	s30 =	spop (v2sf);
	(v2sf) =	vpush v5, $0x2  }
0x89: {  	p5 =	slt.s32 s20, s28;
	[dreg:$0x15] =	wrdreg s2;
	s31 =	spop (v2sf);
	(v2sf) =	vpush v7, $0x2  }
0x8a: {  	p0 =	por !p4, !p5;
	[dreg:$0x14] =	wrdreg s30;
	s2 =	spop (v2sf)  }
0x8b: {  	p0 =	por !p0, !p0;
	p6 =	seq.f32 s2, $-Inf;
	s30 =	spop (v2sf)  }
0x8c: {  	p0 =	por p3, p0;
	p5 =	sne.s32 s30, $0x7FFFFFFF  }
0x8d: {  	s28 =	smov.u32 @p0 s20;
	p4 =	sgt.f32 s2, $-Inf;
	p1 =	por !p6, !p5  }
0x8e: {  	s29 =	smov.u32 @p0 s10;
	p2 =	slt.s32 s19, s28;
	(v2sf) =	vpush v5, $0x3;
	p1 =	por !p1, !p1  }
0x8f: {  	(v2sf) =	vpush v7, $0x3;
	s10 =	spop (v2sf);
	p6 =	seq.f32 s23, s29;
	p0 =	por p4, p1  }
0x90: {  	s20 =	spop (v2sf);
	p4 =	sgt.f32 s23, s29;
	s2 =	simm.s32 @!p0 $0xFF800000  }
0x91: {  	s30 =	simm.s32 @!p0 $0x7FFFFFFF;
	p0 =	por !p6, !p2;
	p3 =	seq.f32 s10, s2  }
0x92: {  	p5 =	slt.s32 s20, s30;
	p0 =	por !p0, !p0  }
0x93: {  	p6 =	sgt.f32 s10, s2;
	p0 =	por p4, p0;
	p1 =	por !p3, !p5  }
0x94: {  	(v2sf) =	vpush v5, $0x4;
	s29 =	smov.u32 @p0 s23;
	p1 =	por !p1, !p1  }
0x95: {  	(v2sf) =	vpush v7, $0x4;
	s28 =	smov.u32 @p0 s19;
	p0 =	por p6, p1;
	p1 =	seq.f32 s17, s29  }
0x96: {  	p2 =	slt.s32 s18, s28;
	p4 =	sgt.f32 s17, s29;
	s2 =	smov.u32 @p0 s10  }
0x97: {  	s30 =	smov.u32 @p0 s20;
	s10 =	spop (v2sf);
	p0 =	por !p1, !p2  }
0x98: {  	p3 =	seq.f32 s10, s2;
	s19 =	spop (v2sf);
	p0 =	por !p0, !p0  }
0x99: {  	p5 =	slt.s32 s19, s30;
	p0 =	por p4, p0  }
0x9a: {  	p6 =	sgt.f32 s10, s2;
	p1 =	por !p3, !p5;
	s28 =	smov.u32 @p0 s18  }
0x9b: {  	(v2sf) =	vpush v5, $0x5;
	s29 =	smov.u32 @p0 s17;
	p1 =	por !p1, !p1;
	p2 =	slt.s32 s21, s28  }
0x9c: {  	(v2sf) =	vpush v7, $0x5;
	p4 =	sgt.f32 s26, s29;
	p0 =	por p6, p1;
	p1 =	seq.f32 s26, s29  }
0x9d: {  	s2 =	smov.u32 @p0 s10;
	s30 =	smov.u32 @p0 s19;
	s10 =	spop (v2sf)  }
0x9e: {  	p3 =	seq.f32 s10, s2;
	s17 =	spop (v2sf);
	p0 =	por !p1, !p2  }
0x9f: {  	p5 =	slt.s32 s17, s30;
	p0 =	por !p0, !p0  }
0xa0: {  	p6 =	sgt.f32 s10, s2;
	p1 =	por !p3, !p5;
	p0 =	por p4, p0  }
0xa1: {  	(v2sf) =	vpush v5, $0x6;
	p1 =	por !p1, !p1;
	s29 =	smov.u32 @p0 s26  }
0xa2: {  	(v2sf) =	vpush v7, $0x6;
	s28 =	smov.u32 @p0 s21;
	p0 =	por p6, p1;
	p1 =	seq.f32 s24, s29  }
0xa3: {  	p2 =	slt.s32 s25, s28;
	s2 =	smov.u32 @p0 s10;
	s10 =	spop (v2sf)  }
0xa4: {  	s30 =	smov.u32 @p0 s17;
	p3 =	seq.f32 s10, s2;
	s17 =	spop (v2sf)  }
0xa5: {  	p4 =	sgt.f32 s24, s29;
	p0 =	por !p1, !p2;
	p5 =	slt.s32 s17, s30  }
0xa6: {  	(v2sf) =	vpush v5, $0x7;
	p6 =	sgt.f32 s10, s2;
	p0 =	por !p0, !p0;
	p1 =	por !p3, !p5  }
0xa7: {  	p0 =	por p4, p0;
	p1 =	por !p1, !p1  }
0xa8: {  	s29 =	smov.u32 @p0 s24;
	s28 =	smov.u32 @p0 s25;
	p0 =	por p6, p1  }
0xa9: {  	(v2sf) =	vpush v7, $0x7;
	p1 =	seq.f32 s13, s29;
	p2 =	slt.s32 s22, s28;
	p4 =	sgt.f32 s13, s29  }
0xaa: {  	s2 =	smov.u32 @p0 s10;
	s30 =	smov.u32 @p0 s17;
	s10 =	spop (v2sf)  }
0xab: {  	p3 =	seq.f32 s10, s2;
	s17 =	spop (v2sf);
	p0 =	por !p1, !p2  }
0xac: {  	p5 =	slt.s32 s17, s30;
	p0 =	por !p0, !p0  }
0xad: {  	(v2sf) =	vpush v5, $0x8;
	p6 =	sgt.f32 s10, s2;
	p1 =	por !p3, !p5;
	p0 =	por p4, p0  }
0xae: {  	p1 =	por !p1, !p1;
	s29 =	smov.u32 @p0 s13  }
0xaf: {  	(v2sf) =	vpush v7, $0x8;
	s28 =	smov.u32 @p0 s22;
	p0 =	por p6, p1;
	p1 =	seq.f32 s7, s29  }
0xb0: {  	p2 =	slt.s32 s14, s28;
	s2 =	smov.u32 @p0 s10;
	s10 =	spop (v2sf)  }
0xb1: {  	s30 =	smov.u32 @p0 s17;
	p3 =	seq.f32 s10, s2;
	s13 =	spop (v2sf)  }
0xb2: {  	p6 =	sgt.f32 s7, s29;
	p0 =	por !p1, !p2;
	p4 =	slt.s32 s13, s30  }
0xb3: {  	p0 =	por !p0, !p0;
	p1 =	por !p3, !p4  }
0xb4: {  	(v2sf) =	vpush v5, $0x9;
	p5 =	sgt.f32 s10, s2;
	p0 =	por p6, p0;
	p1 =	por !p1, !p1  }
0xb5: {  	s29 =	smov.u32 @p0 s7;
	s28 =	smov.u32 @p0 s14;
	s7 =	spop (v2sf)  }
0xb6: {  	(v2sf) =	vpush v7, $0x9;
	p0 =	por p5, p1;
	p6 =	seq.f32 s1, s29;
	p2 =	slt.s32 s4, s28  }
0xb7: {  	p4 =	sgt.f32 s1, s29;
	s2 =	smov.u32 @p0 s10;
	s30 =	smov.u32 @p0 s13  }
0xb8: {  	s10 =	spop (v2sf);
	p3 =	seq.f32 s7, s2;
	p0 =	por !p6, !p2  }
0xb9: {  	p5 =	slt.s32 s10, s30;
	p0 =	por !p0, !p0  }
0xba: {  	p6 =	sgt.f32 s7, s2;
	p1 =	por !p3, !p5;
	p0 =	por p4, p0  }
0xbb: {  	(v2sf) =	vpush v5, $0xA;
	p1 =	por !p1, !p1;
	s29 =	smov.u32 @p0 s1  }
0xbc: {  	(v2sf) =	vpush v7, $0xA;
	s28 =	smov.u32 @p0 s4;
	s1 =	spop (v2sf);
	p0 =	por p6, p1  }
0xbd: {  	p5 =	seq.f32 s16, s29;
	p2 =	slt.s32 s12, s28;
	s2 =	smov.u32 @p0 s7  }
0xbe: {  	s4 =	spop (v2sf);
	s30 =	smov.u32 @p0 s10;
	p3 =	seq.f32 s1, s2  }
0xbf: {  	p6 =	sgt.f32 s16, s29;
	p0 =	por !p5, !p2;
	p4 =	slt.s32 s4, s30  }
0xc0: {  	p5 =	sgt.f32 s1, s2;
	p0 =	por !p0, !p0;
	p1 =	por !p3, !p4  }
0xc1: {  	p0 =	por p6, p0;
	p1 =	por !p1, !p1  }
0xc2: {  	(v2sf) =	vpush v5, $0xB;
	s29 =	smov.u32 @p0 s16;
	s28 =	smov.u32 @p0 s12;
	p0 =	por p5, p1  }
0xc3: {  	p6 =	seq.f32 s3, s29;
	s2 =	smov.u32 @p0 s1;
	s1 =	spop (v2sf);
	(v2sf) =	vpush v7, $0xB  }
0xc4: {  	p2 =	slt.s32 s11, s28;
	p4 =	sgt.f32 s3, s29;
	s30 =	smov.u32 @p0 s4  }
0xc5: {  	s4 =	spop (v2sf);
	p3 =	seq.f32 s1, s2;
	p0 =	por !p6, !p2  }
0xc6: {  	s23 =	rddreg [dreg:$0x12];
	p5 =	slt.s32 s4, s30;
	p0 =	por !p0, !p0  }
0xc7: {  	p6 =	sgt.f32 s1, s2;
	(v2sf) =	vpush v5, $0xC;
	p1 =	por !p3, !p5;
	p0 =	por p4, p0  }
0xc8: {  	s20 =	rddreg [dreg:$0x14];
	p1 =	por !p1, !p1;
	s29 =	smov.u32 @p0 s3  }
0xc9: {  	s28 =	smov.u32 @p0 s11;
	p0 =	por p6, p1;
	p5 =	seq.f32 s8, s29  }
0xca: {  	p2 =	slt.s32 s9, s28;
	s2 =	smov.u32 @p0 s1;
	s1 =	spop (v2sf);
	(v2sf) =	vpush v7, $0xC  }
0xcb: {  	s30 =	smov.u32 @p0 s4;
	s3 =	spop (v2sf);
	p3 =	seq.f32 s1, s2  }
0xcc: {  	p6 =	sgt.f32 s8, s29;
	p0 =	por !p5, !p2;
	p4 =	slt.s32 s3, s30  }
0xcd: {  	p5 =	sgt.f32 s1, s2;
	p0 =	por !p0, !p0;
	p1 =	por !p3, !p4  }
0xce: {  	s21 =	rddreg [dreg:$0xf];
	p0 =	por p6, p0;
	p1 =	por !p1, !p1  }
0xcf: {  	(v2sf) =	vpush v5, $0xD;
	s29 =	smov.u32 @p0 s8;
	s28 =	smov.u32 @p0 s9;
	p0 =	por p5, p1  }
0xd0: {  	p6 =	seq.f32 s5, s29;
	p2 =	slt.s32 s0, s28;
	p4 =	sgt.f32 s5, s29  }
0xd1: {  	(v2sf) =	vpush v7, $0xD;
	s2 =	smov.u32 @p0 s1;
	s30 =	smov.u32 @p0 s3;
	s1 =	spop (v2sf)  }
0xd2: {  	p3 =	seq.f32 s1, s2;
	p0 =	por !p6, !p2;
	s3 =	spop (v2sf)  }
0xd3: {  	s24 =	rddreg [dreg:$0xe];
	p0 =	por !p0, !p0;
	p5 =	slt.s32 s3, s30  }
0xd4: {  	p6 =	sgt.f32 s1, s2;
	p0 =	por p4, p0;
	p1 =	por !p3, !p5  }
0xd5: {  	s25 =	rddreg [dreg:$0x11];
	s29 =	smov.u32 @p0 s5;
	p1 =	por !p1, !p1  }
0xd6: {  	(v2sf) =	vpush v5, $0xE;
	s28 =	smov.u32 @p0 s0;
	s0 =	spop (v2sf);
	p0 =	por p6, p1  }
0xd7: {  	(v2sf) =	vpush v7, $0xE;
	p5 =	seq.f32 s15, s29;
	s30 =	smov.u32 @p0 s3;
	s3 =	rddreg [dreg:$0x15]  }
0xd8: {  	p6 =	sgt.f32 s15, s29;
	s2 =	smov.u32 @p0 s1;
	p2 =	slt.s32 s3, s28  }
0xd9: {  	s1 =	spop (v2sf);
	p3 =	seq.f32 s0, s2;
	p0 =	por !p5, !p2  }
0xda: {  	s22 =	rddreg [dreg:$0x13];
	(v2sf) =	vpush v5, $0xF;
	p4 =	slt.s32 s1, s30;
	p0 =	por !p0, !p0  }
0xdb: {  	p5 =	sgt.f32 s0, s2;
	p1 =	por !p3, !p4;
	p0 =	por p6, p0  }
0xdc: {  	s7 =	rddreg [dreg:$0x10];
	(v2sf) =	vpush v7, $0xF;
	p1 =	por !p1, !p1;
	s29 =	smov.u32 @p0 s15  }
0xdd: {  	p1 =	por p5, p1;
	s28 =	smov.u32 @p0 s3;
	p0 =	seq.s32 s21, $0x4  }
0xde: {  	s2 =	smov.u32 @p1 s0;
	s0 =	spop (v2sf);
	s30 =	smov.u32 @p1 s1  }
0xdf: {  	p2 =	sgt.f32 s20, s29;
	p3 =	seq.f32 s20, s29;
	p4 =	slt.s32 s31, s28  }
0xe0: {  	s3 =	smov.u32 s28;
	s1 =	spop (v2sf);
	p1 =	seq.f32 s0, s2  }
0xe1: {  	p5 =	sgt.f32 s0, s2;
	s3 =	smov.u32 @p4 s31;
	p6 =	slt.s32 s1, s30  }
0xe2: {  	s28 =	smov.u32 @p3 s3;
	s3 =	sand.u32 $0xF, s23;
	p1 =	por !p1, !p6  }
0xe3: {  	s28 =	smov.u32 @p2 s31;
	p6 =	por !p1, !p1;
	p1 =	seq.s32 s22, $0x4  }
0xe4: {  	p3 =	por p5, p6;
	p5 =	slt.u32 s24, $0x5;
	p6 =	sne.s32 s3, $0x0  }
0xe5: {  	s2 =	smov.u32 @p3 s0;
	s0 =	spop (v2sf);
	s30 =	smov.u32 @p3 s1  }
0xe6: {  	p4 =	por !p5, !p6;
	s4 =	spop (v2sf);
	p3 =	seq.f32 s0, s2  }
0xe7: {  	s1 =	simm.s32 $0x1;
	p4 =	por !p4, !p4;
	p5 =	slt.s32 s4, s30  }
0xe8: {  	p6 =	sgt.f32 s0, s2;
	s1 =	simm.s32 @!p4 $0x0;
	p5 =	por !p3, !p5  }
0xe9: {  	s26 =	spop (v2sf);
	p3 =	seq.s32 s7, $0xF;
	p5 =	por !p5, !p5  }
0xea: {  	s1 =	ssub.s32 s25, s1;
	s7 =	simm.s32 @!p0 $0xFFFFFFFF;
	p4 =	por p6, p5  }
0xeb: {  	s1 =	sshll.u32 s1, $0x6;
	s30 =	smov.u32 @p4 s4;
	s4 =	spop (v2sf)  }
0xec: {  	s1 =	sshra.s32 s1, $0x2;
	s2 =	smov.u32 @p4 s0;
	p4 =	slt.s32 s4, s30  }
0xed: {  	v8 =	vmov s7;
	s0 =	smov.u32 s30;
	p5 =	seq.f32 s26, s2;
	p6 =	sgt.f32 s26, s2  }
0xee: {  	vm1 =	veq.s32 v8, v0;
	v7 =	vld [tilespmem:s1+$0x9D00];
	s0 =	smov.u32 @p4 s4;
	p4 =	seq.s32 s3, $0xF;
	s3 =	simm.s32 @!p1 $0xFFFFFFFF  }
0xef: {  	v3 =	vsel vm1, s28, v3;
	s30 =	smov.u32 @p5 s0;
	v8 =	vmov s3  }
0xf0: {  	vm3 =	vmmov vm0;
	vm2 =	veq.s32 v3, v4;
	s30 =	smov.u32 @p6 s4;
	vm1 =	veq.s32 v8, v0  }
0xf1: {  	s6 =	sadd.s32 $0x1, s6;
	vm3 =	vmmov @p3 vm2;
	v3 =	vsel vm1, s30, v3;
	vm1 =	vmmov vm0  }
0xf2: {  	vm1 =	vmmov @p0 vm3;
	p0 =	sne.s32 s6, $0x50  }
.Ltmp2:
0xf3: {  	vm4 =	vmmov vm0;
	s10 =	rddreg [dreg:$0x0];
	vm2 =	veq.s32 v3, v7;
	(pc) =	sbr.rel @p0 .LBB2_2-.Ltmp2, $4  }
0xf4: {  	s29 =	rddreg [dreg:$0xd];
	vm4 =	vmmov @p4 vm2;
	vm2 =	vmmov vm0  }
0xf5: {  	s31 =	rddreg [dreg:$0xb];
	v4 =	vsel vm1, $0x1, v1;
	vm2 =	vmmov @p1 vm4  }
0xf6: {  	s30 =	rddreg [dreg:$0xc];
	v2 =	vadd.s32 v4, v2;
	v4 =	vsel vm2, $0x1, v1  }
0xf7: {  	s8 =	sadd.s32 $0x9C40, s29;
	s4 =	sadd.s32 $0x2, s31;
	s5 =	sadd.s32 $0x2, s30;
	v2 =	vadd.s32 v4, v2  }
0xf8: {  	v2 =	vcvt.s32.f32 v2;
	s0 =	simm.s32 $0x1  }
0xf9: {  	_ =	swait.ge [sflag:s0], $0x4E20  }
0xfa: {  	[sflag:s0] =	ssyncset.done $0x0;
	v2 =	vmul.f32 $9.765625000e-02, v2  }
0xfb: {  	s6 =	simm.s32 $0x0;
	[sflag:s0] =	ssyncadd.s32 $0xFFFFB1E0  }
0xfc: {  	s1 =	simm.s32 $0x9D80;
	s2 =	simm.s32 $0x3;
	s29 =	rddreg [dreg:$0x8];
	[tilespmem:$0x9D80] =	vst v2  }
0xfd: {  	[hbm4b:s29+s6] =	stream.linear.scatter [tilespmem:s1], [sflag:$0x3], $0x10, $0x38;
	[tilespmem:$0x9E00] =	vst v63  }
0xfe: {  	_ =	swait.ge [sflag:s2], $0x10  }
0xff: {  	s30 =	rddreg [dreg:$0xa]  }
0x100: {  	s31 =	rddreg [dreg:$0x9];
	s1 =	sadd.s32 $0x1, s30  }
0x101: {  	p0 =	sne.s32 s1, s31  }
.Ltmp3:
0x102: {  	_ = 	snop;
	(pc) =	sbr.rel @p0 .LBB2_1-.Ltmp3, $3  }
0x103: {  	_ =	sdelay $0x1  }
0x104: {  	[sflag:s2] =	ssyncset.done $0x0  }
0x105: {  	[sflag:s2] =	ssyncadd.s32 $0xFFFFFFF0  }
0x106: {  	_ =	sfence.sel $0x180000  }
0x107: {  	[bflag:$0x0] =	sbarrier.arrive $0xFFFF  }
0x108: {  	_ =	strace $0x90000047  }
0x109: {  	s0 =	stileid.u32;
	[bflag:$0x2] =	sbarrier.arrive $0xFFFF  }
0x10a: {  	p0 =	sne.s32 s0, $0x0;
	s0 =	rddreg [dreg:$0x3]  }
0x10b: {  	s0 =	sadd.s32 @!p0 $0x100000, s0  }
0x10c: {  	[sflag:s0] =	ssyncadd.tile.s32 @!p0 $0x1;
	_ =	shalt  }
.Lfunc_end2:
_tile_overlayer_lowered:
.L_overlay_start_2:
0x10d: {  	(tag) =	ssettag $0x2  }
0x10e: {  	s0 =	rddreg [dreg:$0x0];
	s2 =	stileid.u32  }
0x10f: {  	s1 =	rddreg [dreg:$0x1];
	p0 =	sne.s32 s2, $0x0  }
0x110: {  	s3 =	rddreg [dreg:$0x2];
	[bflag:$0x3] =	sbarrier.arrive $0xFFFF;
	s2 =	simm.s32 @!p0 $0x1C03  }
0x111: {  	[timem:s3], [sflag:s2] =	dma.local @!p0 [hbm:s0], s1  }
0x112: {  	s0 =	simm.s32 @!p0 $0x3  }
0x113: {  	_ =	swait.ge @!p0 [sflag:s0], s1  }
0x114: {  	s1 =	ssub.s32 @!p0 $0x0, s1;
	[sflag:s0] =	ssyncset.done @!p0 $0x0  }
0x115: {  	[sflag:s0] =	ssyncadd.s32 @!p0 s1  }
0x116: {  	[bflag:$0x3] =	sbarrier.arrive $0xFFFF  }
0x117: {  	_ =	shalt  }

</sc_bundles>
